<compile_context>
chip_gen: v7x
topology: tpu7x:2x2x1
jax: 0.10.2.dev20260603
libtpu: 0.0.44.dev20260713+nightly
codegen_flags: <defaults>
</compile_context>

<pallas_src>
import functools

import jax
import jax.numpy as jnp
from jax import lax
from jax.experimental import pallas as pl
from jax.experimental.pallas import tpu as pltpu
from jax.experimental.pallas import tpu_sc as plsc

NC = 2
NS = 16
NW = NC * NS
L = 16
NB = 131072
PW = NB // 8


def _tc_project_table(tableT, W, b, V, D, C):
    grid = (V + NB - 1) // NB
    rows8 = grid * (NB // 8)

    def body(x_ref, w_ref, b_ref, out_ref):
        x = x_ref[...]
        yt = lax.dot_general(w_ref[...], x, (((1,), (0,)), ((), ())),
                             preferred_element_type=jnp.float32)
        yt = yt + b_ref[...]
        z = jnp.concatenate([yt[:, k * PW:(k + 1) * PW]
                             for k in range(8)], axis=0)
        out_ref[...] = z.T

    return pl.pallas_call(
        body,
        grid=(grid,),
        compiler_params=pltpu.CompilerParams(
            vmem_limit_bytes=128 * 1024 * 1024),
        in_specs=[
            pl.BlockSpec((D, NB), lambda i: (0, i)),
            pl.BlockSpec((C, D), lambda i: (0, 0)),
            pl.BlockSpec((C, 1), lambda i: (0, 0)),
        ],
        out_specs=pl.BlockSpec((NB // 8, 8 * C), lambda i: (i, 0)),
        out_shape=jax.ShapeDtypeStruct((rows8, 8 * C), jnp.float32),
    )(tableT, W, b.reshape(C, 1))


def _sigma(v):
    pw_bits = PW.bit_length() - 1
    hi = lax.bitwise_and(v, jnp.int32(-NB))
    mid = lax.shift_left(lax.bitwise_and(v, jnp.int32(PW - 1)), 3)
    lo = lax.bitwise_and(lax.shift_right_logical(v, pw_bits), jnp.int32(7))
    return hi + mid + lo


def _sc_gather(text, P, B, T, C):
    sg = B // NW
    tpw = (T - B) // NW
    CH = 784
    nch = tpw // CH
    NBUF = 4

    mesh = plsc.VectorSubcoreMesh(core_axis_name="c", subcore_axis_name="s")

    @functools.partial(
        pl.kernel,
        mesh=mesh,
        compiler_params=pltpu.CompilerParams(use_tc_tiling_on_sc=False,
                                             needs_layout_passes=False),
        out_type=[
            jax.ShapeDtypeStruct((B, C), jnp.float32),
            jax.ShapeDtypeStruct((NW, C), jnp.float32),
        ],
        scratch_types=[
            pltpu.VMEM((sg,), jnp.int32),
            pltpu.VMEM((sg,), jnp.int32),
            pltpu.VMEM((sg, C), jnp.float32),
            pltpu.VMEM((tpw,), jnp.int32),
            [pltpu.VMEM((CH, C), jnp.float32) for _ in range(NBUF)],
            pltpu.VMEM((C,), jnp.float32),
            pltpu.SemaphoreType.DMA,
            [pltpu.SemaphoreType.DMA for _ in range(NBUF)],
        ],
    )
    def k(text_hbm, p_hbm, rows_out, part_out,
          sbuf, sidx, srows, tidx, accs, part_v, ssem, sems):
        wid = lax.axis_index("s") * NC + lax.axis_index("c")

        coloff = (wid >> 3) * 512 + (wid & 7) * 64
        for q in range(8):
            pltpu.async_copy(text_hbm.at[pl.ds(q * 2048 + coloff, 64)],
                             sbuf.at[pl.ds(q * 64, 64)], ssem)
        for q in range(8):
            pltpu.make_async_copy(text_hbm.at[pl.ds(q * 2048 + coloff, 64)],
                                  sbuf.at[pl.ds(q * 64, 64)], ssem).wait()
        iot = lax.iota(jnp.int32, L)
        for h in range(sg // L):
            e = jnp.int32(L * h) + iot
            srcidx = lax.shift_left(lax.bitwise_and(e, jnp.int32(7)), 6) \
                + lax.shift_right_logical(e, 3)
            sidx[pl.ds(L * h, L)] = plsc.load_gather(sbuf, [srcidx])

        def smap(g, _):
            sidx[pl.ds(g * L, L)] = _sigma(sidx[pl.ds(g * L, L)])
            return 0

        lax.fori_loop(0, sg // L, smap, 0, unroll=False)
        pltpu.async_copy(p_hbm.at[sidx], srows, ssem)
        sbase = wid * sg

        base = B + wid * tpw
        pltpu.sync_copy(text_hbm.at[pl.ds(base, tpw)], tidx)

        def tmap(c, g, _):
            o = c * CH + g * L
            tidx[pl.ds(o, L)] = _sigma(tidx[pl.ds(o, L)])
            return 0

        for b in range(NBUF):
            lax.fori_loop(0, CH // L, functools.partial(tmap, b), 0,
                          unroll=False)
            pltpu.async_copy(p_hbm.at[tidx.at[pl.ds(b * CH, CH)]],
                             accs[b], sems[b])

        pltpu.make_async_copy(p_hbm.at[sidx], srows, ssem).wait()
        pltpu.sync_copy(srows, rows_out.at[pl.ds(sbase, sg)])

        def body(i, _):
            for b in range(NBUF):
                c = NBUF * i + b
                lax.fori_loop(0, CH // L, functools.partial(tmap, c), 0,
                              unroll=False)
                pltpu.make_async_copy(
                    p_hbm.at[tidx.at[pl.ds(b * CH, CH)]], accs[b],
                    sems[b]).wait()
                pltpu.async_copy(p_hbm.at[tidx.at[pl.ds(c * CH, CH)]],
                                 accs[b], sems[b], add=True)
            return 0

        lax.fori_loop(1, nch // NBUF, body, 0, unroll=False)
        for b in range(NBUF):
            pltpu.make_async_copy(p_hbm.at[tidx.at[pl.ds(b * CH, CH)]],
                                  accs[b], sems[b]).wait()

        def red(r, carry):
            s = carry
            for b in range(NBUF):
                s = s + accs[b][r, :]
            return s

        part_v[...] = lax.fori_loop(0, CH, red, jnp.zeros((L,), jnp.float32),
                                    unroll=False)
        pltpu.sync_copy(part_v, part_out.at[wid])

    return k(text, P)


def _tc_fix_tail(rows, partials, B, T, C):
    tail_count = float(T - (B - 1))
    FR = B * C // 128

    def body(rows_ref, part_ref, out_ref):
        rows_v = rows_ref[...]
        s128 = jnp.sum(part_ref[...], axis=0, keepdims=True)
        fold = jnp.where(
            lax.broadcasted_iota(jnp.int32, (128, C), 0) % C
            == lax.broadcasted_iota(jnp.int32, (128, C), 1),
            1.0, 0.0).astype(jnp.float32)
        s16 = lax.dot_general(s128, fold, (((1,), (0,)), ((), ())),
                              preferred_element_type=jnp.float32)
        tail16 = rows_v[FR - 1:FR, 128 - C:]
        fix = (s16 + tail16) / tail_count
        fixrow = jnp.concatenate([rows_v[FR - 1:FR, :128 - C], fix], axis=1)
        rid = lax.broadcasted_iota(jnp.int32, (FR, 1), 0)
        fixed = jnp.where(rid == FR - 1, fixrow, rows_v)
        zz = fixed.T
        out_ref[...] = jnp.concatenate(
            [zz[k * C:(k + 1) * C, :] for k in range(8)], axis=1)

    outT = pl.pallas_call(
        body,
        out_shape=jax.ShapeDtypeStruct((C, B), jnp.float32),
    )(rows.reshape(B * C).reshape(FR, 128),
      partials.reshape(NW * C).reshape(NW * C // 128, 128))
    return outT.T


@jax.jit
def kernel(text, offsets, table, W, b):
    T = text.shape[0]
    B = offsets.shape[0]
    V, D = table.shape
    C = W.shape[0]
    P8 = _tc_project_table(table.T, W, b, V, D, C)
    V2 = P8.shape[0] * 8
    P = P8.reshape(V2 * C).reshape(V2, C)
    rows, partials = _sc_gather(text, P, B, T, C)
    return _tc_fix_tail(rows, partials, B, T, C)

# --- scband reference (transcript-rebuilt; emitter-appended) ---
"""Pipeline reference for scband-simple-text-classifier-53223234732455 (READ-ONLY COPY).

The authoritative reference and input builder live on the scoring server;
editing this copy changes nothing except your own understanding.
"""

import jax, jax.numpy as jnp
import numpy as np

VOCAB = 1000000
EMBED_DIM = 32
NUM_CLASS = 16
TOTAL_TOKENS = 819200
BATCH = 16384


def setup_inputs(seed: int = 0) -> dict:
    key = jax.random.key(seed)
    k1, k2, k3 = jax.random.split(key, 3)
    text = jax.random.randint(k1, (TOTAL_TOKENS,), 0, VOCAB, dtype=jnp.int32)
    offsets = jnp.arange(BATCH, dtype=jnp.int32)
    # EmbeddingBag weight: uniform_(-0.5, 0.5) per init_weights
    table = jax.random.uniform(k2, (VOCAB, EMBED_DIM), dtype=jnp.float32, minval=-0.5, maxval=0.5)
    W = jax.random.uniform(k3, (NUM_CLASS, EMBED_DIM), dtype=jnp.float32, minval=-0.5, maxval=0.5)
    b = jnp.zeros((NUM_CLASS,), dtype=jnp.float32)
    return {"text": text, "offsets": offsets, "table": table, "W": W, "b": b}


def reference(text, offsets, table, W, b):
    # nn.EmbeddingBag(mode='mean') with 1D input + offsets:
    # bag i spans text[offsets[i]:offsets[i+1]] (last bag runs to end of text).
    T = text.shape[0]
    B = offsets.shape[0]
    # segment id for each token position = index of the bag it belongs to
    seg = jnp.searchsorted(offsets, jnp.arange(T, dtype=offsets.dtype), side='right') - 1
    emb = jnp.take(table, text, axis=0)  # gather: [T, D]
    sums = jax.ops.segment_sum(emb, seg, num_segments=B)  # scatter-add: [B, D]
    counts = jax.ops.segment_sum(jnp.ones((T,), dtype=jnp.float32), seg, num_segments=B)
    mean = sums / jnp.maximum(counts, 1.0)[:, None]
    # fc
    return mean @ W.T + b

if __name__ == "__main__":
    import jax
    _d = setup_inputs()
    print(jax.jit(kernel)(*tuple(_d.values())))

</pallas_src>

<mosaic_0001>
#map = affine_map<(d0, d1) -> (0)>
#map1 = affine_map<(d0, d1) -> (0, 0)>
module attributes {stable_mosaic.version = 14 : i64} {
  func.func @k(%arg0: i32, %arg1: i32, %arg2: memref<819200xi32, #tpu.memory_space<hbm>>, %arg3: memref<1048576x16xf32, #tpu.memory_space<hbm>>, %arg4: memref<16384x16xf32, #tpu.memory_space<hbm>>, %arg5: memref<32x16xf32, #tpu.memory_space<hbm>>, %arg6: memref<512xi32, #tpu.memory_space<vmem>>, %arg7: memref<512xi32, #tpu.memory_space<vmem>>, %arg8: memref<512x16xf32, #tpu.memory_space<vmem>>, %arg9: memref<25088xi32, #tpu.memory_space<vmem>>, %arg10: memref<784x16xf32, #tpu.memory_space<vmem>>, %arg11: memref<784x16xf32, #tpu.memory_space<vmem>>, %arg12: memref<784x16xf32, #tpu.memory_space<vmem>>, %arg13: memref<784x16xf32, #tpu.memory_space<vmem>>, %arg14: memref<16xf32, #tpu.memory_space<vmem>>, %arg15: memref<!tpu.dma_semaphore, #tpu.memory_space<semaphore_mem>>, %arg16: memref<!tpu.dma_semaphore, #tpu.memory_space<semaphore_mem>>, %arg17: memref<!tpu.dma_semaphore, #tpu.memory_space<semaphore_mem>>, %arg18: memref<!tpu.dma_semaphore, #tpu.memory_space<semaphore_mem>>, %arg19: memref<!tpu.dma_semaphore, #tpu.memory_space<semaphore_mem>>) attributes {dimension_semantics = [#tpu.dimension_semantics<core_parallel>, #tpu.dimension_semantics<subcore_parallel>], iteration_bounds = array<i64: 2, 16>, scalar_prefetch = 0 : i64, scratch_operands = 14 : i64, tpu.core_type = #tpu.core_type<sc_vector_subcore>, window_params = [{transform_indices = #map}, {transform_indices = #map1}, {transform_indices = #map1}, {transform_indices = #map1}]} {
    %mul3A = arith.constant 2 : i32
    %mul3A_0 = arith.muli %arg1, %mul3A : i32
    %add3A = arith.addi %mul3A_0, %arg0 : i32
    %shift_right_arithmetic3A = arith.constant 3 : i32
    %shift_right_arithmetic3A_1 = arith.shrsi %add3A, %shift_right_arithmetic3A : i32
    %mul3A_2 = arith.constant 512 : i32
    %mul3A_3 = arith.muli %shift_right_arithmetic3A_1, %mul3A_2 : i32
    %and3A = arith.constant 7 : i32
    %and3A_4 = arith.andi %add3A, %and3A : i32
    %mul3A_5 = arith.constant 64 : i32
    %mul3A_6 = arith.muli %and3A_4, %mul3A_5 : i32
    %add3A_7 = arith.addi %mul3A_3, %mul3A_6 : i32
    %add3A_8 = arith.constant 0 : i32
    %add3A_9 = arith.addi %add3A_8, %add3A_7 : i32
    %dma_start3A = arith.constant 0 : i32
    %dma_start3A_10 = tpu.memref_slice %arg6[%dma_start3A] : memref<512xi32, #tpu.memory_space<vmem>> -> memref<64xi32, #tpu.memory_space<vmem>>
    %dma_start3A_11 = tpu.memref_slice %arg2[%add3A_9] : memref<819200xi32, #tpu.memory_space<hbm>> -> memref<64xi32, #tpu.memory_space<hbm>>
    %dma_start3A_12 = arith.constant 0 : i32
    %dma_start3A_13 = tpu.memref_slice %arg6[%dma_start3A_12] : memref<512xi32, #tpu.memory_space<vmem>> -> memref<64xi32, #tpu.memory_space<vmem>>
    %dma_start3A_14 = tpu.memref_slice %arg2[%add3A_9] : memref<819200xi32, #tpu.memory_space<hbm>> -> memref<64xi32, #tpu.memory_space<hbm>>
    tpu.enqueue_dma source(%dma_start3A_14 : memref<64xi32, #tpu.memory_space<hbm>>) target(%dma_start3A_13 : memref<64xi32, #tpu.memory_space<vmem>>) target_semaphore(%arg15 : memref<!tpu.dma_semaphore, #tpu.memory_space<semaphore_mem>>)
    %add3A_15 = arith.constant 2048 : i32
    %add3A_16 = arith.addi %add3A_15, %add3A_7 : i32
    %dma_start3A_17 = arith.constant 64 : i32
    %dma_start3A_18 = tpu.memref_slice %arg6[%dma_start3A_17] : memref<512xi32, #tpu.memory_space<vmem>> -> memref<64xi32, #tpu.memory_space<vmem>>
    %dma_start3A_19 = tpu.memref_slice %arg2[%add3A_16] : memref<819200xi32, #tpu.memory_space<hbm>> -> memref<64xi32, #tpu.memory_space<hbm>>
    %dma_start3A_20 = arith.constant 64 : i32
    %dma_start3A_21 = tpu.memref_slice %arg6[%dma_start3A_20] : memref<512xi32, #tpu.memory_space<vmem>> -> memref<64xi32, #tpu.memory_space<vmem>>
    %dma_start3A_22 = tpu.memref_slice %arg2[%add3A_16] : memref<819200xi32, #tpu.memory_space<hbm>> -> memref<64xi32, #tpu.memory_space<hbm>>
    tpu.enqueue_dma source(%dma_start3A_22 : memref<64xi32, #tpu.memory_space<hbm>>) target(%dma_start3A_21 : memref<64xi32, #tpu.memory_space<vmem>>) target_semaphore(%arg15 : memref<!tpu.dma_semaphore, #tpu.memory_space<semaphore_mem>>)
    %add3A_23 = arith.constant 4096 : i32
    %add3A_24 = arith.addi %add3A_23, %add3A_7 : i32
    %dma_start3A_25 = arith.constant 128 : i32
    %dma_start3A_26 = tpu.memref_slice %arg6[%dma_start3A_25] : memref<512xi32, #tpu.memory_space<vmem>> -> memref<64xi32, #tpu.memory_space<vmem>>
    %dma_start3A_27 = tpu.memref_slice %arg2[%add3A_24] : memref<819200xi32, #tpu.memory_space<hbm>> -> memref<64xi32, #tpu.memory_space<hbm>>
    %dma_start3A_28 = arith.constant 128 : i32
    %dma_start3A_29 = tpu.memref_slice %arg6[%dma_start3A_28] : memref<512xi32, #tpu.memory_space<vmem>> -> memref<64xi32, #tpu.memory_space<vmem>>
    %dma_start3A_30 = tpu.memref_slice %arg2[%add3A_24] : memref<819200xi32, #tpu.memory_space<hbm>> -> memref<64xi32, #tpu.memory_space<hbm>>
    tpu.enqueue_dma source(%dma_start3A_30 : memref<64xi32, #tpu.memory_space<hbm>>) target(%dma_start3A_29 : memref<64xi32, #tpu.memory_space<vmem>>) target_semaphore(%arg15 : memref<!tpu.dma_semaphore, #tpu.memory_space<semaphore_mem>>)
    %add3A_31 = arith.constant 6144 : i32
    %add3A_32 = arith.addi %add3A_31, %add3A_7 : i32
    %dma_start3A_33 = arith.constant 192 : i32
    %dma_start3A_34 = tpu.memref_slice %arg6[%dma_start3A_33] : memref<512xi32, #tpu.memory_space<vmem>> -> memref<64xi32, #tpu.memory_space<vmem>>
    %dma_start3A_35 = tpu.memref_slice %arg2[%add3A_32] : memref<819200xi32, #tpu.memory_space<hbm>> -> memref<64xi32, #tpu.memory_space<hbm>>
    %dma_start3A_36 = arith.constant 192 : i32
    %dma_start3A_37 = tpu.memref_slice %arg6[%dma_start3A_36] : memref<512xi32, #tpu.memory_space<vmem>> -> memref<64xi32, #tpu.memory_space<vmem>>
    %dma_start3A_38 = tpu.memref_slice %arg2[%add3A_32] : memref<819200xi32, #tpu.memory_space<hbm>> -> memref<64xi32, #tpu.memory_space<hbm>>
    tpu.enqueue_dma source(%dma_start3A_38 : memref<64xi32, #tpu.memory_space<hbm>>) target(%dma_start3A_37 : memref<64xi32, #tpu.memory_space<vmem>>) target_semaphore(%arg15 : memref<!tpu.dma_semaphore, #tpu.memory_space<semaphore_mem>>)
    %add3A_39 = arith.constant 8192 : i32
    %add3A_40 = arith.addi %add3A_39, %add3A_7 : i32
    %dma_start3A_41 = arith.constant 256 : i32
    %dma_start3A_42 = tpu.memref_slice %arg6[%dma_start3A_41] : memref<512xi32, #tpu.memory_space<vmem>> -> memref<64xi32, #tpu.memory_space<vmem>>
    %dma_start3A_43 = tpu.memref_slice %arg2[%add3A_40] : memref<819200xi32, #tpu.memory_space<hbm>> -> memref<64xi32, #tpu.memory_space<hbm>>
    %dma_start3A_44 = arith.constant 256 : i32
    %dma_start3A_45 = tpu.memref_slice %arg6[%dma_start3A_44] : memref<512xi32, #tpu.memory_space<vmem>> -> memref<64xi32, #tpu.memory_space<vmem>>
    %dma_start3A_46 = tpu.memref_slice %arg2[%add3A_40] : memref<819200xi32, #tpu.memory_space<hbm>> -> memref<64xi32, #tpu.memory_space<hbm>>
    tpu.enqueue_dma source(%dma_start3A_46 : memref<64xi32, #tpu.memory_space<hbm>>) target(%dma_start3A_45 : memref<64xi32, #tpu.memory_space<vmem>>) target_semaphore(%arg15 : memref<!tpu.dma_semaphore, #tpu.memory_space<semaphore_mem>>)
    %add3A_47 = arith.constant 10240 : i32
    %add3A_48 = arith.addi %add3A_47, %add3A_7 : i32
    %dma_start3A_49 = arith.constant 320 : i32
    %dma_start3A_50 = tpu.memref_slice %arg6[%dma_start3A_49] : memref<512xi32, #tpu.memory_space<vmem>> -> memref<64xi32, #tpu.memory_space<vmem>>
    %dma_start3A_51 = tpu.memref_slice %arg2[%add3A_48] : memref<819200xi32, #tpu.memory_space<hbm>> -> memref<64xi32, #tpu.memory_space<hbm>>
    %dma_start3A_52 = arith.constant 320 : i32
    %dma_start3A_53 = tpu.memref_slice %arg6[%dma_start3A_52] : memref<512xi32, #tpu.memory_space<vmem>> -> memref<64xi32, #tpu.memory_space<vmem>>
    %dma_start3A_54 = tpu.memref_slice %arg2[%add3A_48] : memref<819200xi32, #tpu.memory_space<hbm>> -> memref<64xi32, #tpu.memory_space<hbm>>
    tpu.enqueue_dma source(%dma_start3A_54 : memref<64xi32, #tpu.memory_space<hbm>>) target(%dma_start3A_53 : memref<64xi32, #tpu.memory_space<vmem>>) target_semaphore(%arg15 : memref<!tpu.dma_semaphore, #tpu.memory_space<semaphore_mem>>)
    %add3A_55 = arith.constant 12288 : i32
    %add3A_56 = arith.addi %add3A_55, %add3A_7 : i32
    %dma_start3A_57 = arith.constant 384 : i32
    %dma_start3A_58 = tpu.memref_slice %arg6[%dma_start3A_57] : memref<512xi32, #tpu.memory_space<vmem>> -> memref<64xi32, #tpu.memory_space<vmem>>
    %dma_start3A_59 = tpu.memref_slice %arg2[%add3A_56] : memref<819200xi32, #tpu.memory_space<hbm>> -> memref<64xi32, #tpu.memory_space<hbm>>
    %dma_start3A_60 = arith.constant 384 : i32
    %dma_start3A_61 = tpu.memref_slice %arg6[%dma_start3A_60] : memref<512xi32, #tpu.memory_space<vmem>> -> memref<64xi32, #tpu.memory_space<vmem>>
    %dma_start3A_62 = tpu.memref_slice %arg2[%add3A_56] : memref<819200xi32, #tpu.memory_space<hbm>> -> memref<64xi32, #tpu.memory_space<hbm>>
    tpu.enqueue_dma source(%dma_start3A_62 : memref<64xi32, #tpu.memory_space<hbm>>) target(%dma_start3A_61 : memref<64xi32, #tpu.memory_space<vmem>>) target_semaphore(%arg15 : memref<!tpu.dma_semaphore, #tpu.memory_space<semaphore_mem>>)
    %add3A_63 = arith.constant 14336 : i32
    %add3A_64 = arith.addi %add3A_63, %add3A_7 : i32
    %dma_start3A_65 = arith.constant 448 : i32
    %dma_start3A_66 = tpu.memref_slice %arg6[%dma_start3A_65] : memref<512xi32, #tpu.memory_space<vmem>> -> memref<64xi32, #tpu.memory_space<vmem>>
    %dma_start3A_67 = tpu.memref_slice %arg2[%add3A_64] : memref<819200xi32, #tpu.memory_space<hbm>> -> memref<64xi32, #tpu.memory_space<hbm>>
    %dma_start3A_68 = arith.constant 448 : i32
    %dma_start3A_69 = tpu.memref_slice %arg6[%dma_start3A_68] : memref<512xi32, #tpu.memory_space<vmem>> -> memref<64xi32, #tpu.memory_space<vmem>>
    %dma_start3A_70 = tpu.memref_slice %arg2[%add3A_64] : memref<819200xi32, #tpu.memory_space<hbm>> -> memref<64xi32, #tpu.memory_space<hbm>>
    tpu.enqueue_dma source(%dma_start3A_70 : memref<64xi32, #tpu.memory_space<hbm>>) target(%dma_start3A_69 : memref<64xi32, #tpu.memory_space<vmem>>) target_semaphore(%arg15 : memref<!tpu.dma_semaphore, #tpu.memory_space<semaphore_mem>>)
    %add3A_71 = arith.constant 0 : i32
    %add3A_72 = arith.addi %add3A_71, %add3A_7 : i32
    %dma_wait3A = arith.constant 0 : i32
    %dma_wait3A_73 = tpu.memref_slice %arg6[%dma_wait3A] : memref<512xi32, #tpu.memory_space<vmem>> -> memref<64xi32, #tpu.memory_space<vmem>>
    %dma_wait3A_74 = tpu.memref_slice %arg2[%add3A_72] : memref<819200xi32, #tpu.memory_space<hbm>> -> memref<64xi32, #tpu.memory_space<hbm>>
    %dma_wait3A_75 = arith.constant 0 : i32
    %dma_wait3A_76 = tpu.memref_slice %arg6[%dma_wait3A_75] : memref<512xi32, #tpu.memory_space<vmem>> -> memref<64xi32, #tpu.memory_space<vmem>>
    %dma_wait3A_77 = tpu.memref_slice %arg2[%add3A_72] : memref<819200xi32, #tpu.memory_space<hbm>> -> memref<64xi32, #tpu.memory_space<hbm>>
    tpu.wait_dma2 semaphore(%arg15 : memref<!tpu.dma_semaphore, #tpu.memory_space<semaphore_mem>>) src(%dma_wait3A_77 : memref<64xi32, #tpu.memory_space<hbm>>) dst(%dma_wait3A_76 : memref<64xi32, #tpu.memory_space<vmem>>)
    %add3A_78 = arith.constant 2048 : i32
    %add3A_79 = arith.addi %add3A_78, %add3A_7 : i32
    %dma_wait3A_80 = arith.constant 64 : i32
    %dma_wait3A_81 = tpu.memref_slice %arg6[%dma_wait3A_80] : memref<512xi32, #tpu.memory_space<vmem>> -> memref<64xi32, #tpu.memory_space<vmem>>
    %dma_wait3A_82 = tpu.memref_slice %arg2[%add3A_79] : memref<819200xi32, #tpu.memory_space<hbm>> -> memref<64xi32, #tpu.memory_space<hbm>>
    %dma_wait3A_83 = arith.constant 64 : i32
    %dma_wait3A_84 = tpu.memref_slice %arg6[%dma_wait3A_83] : memref<512xi32, #tpu.memory_space<vmem>> -> memref<64xi32, #tpu.memory_space<vmem>>
    %dma_wait3A_85 = tpu.memref_slice %arg2[%add3A_79] : memref<819200xi32, #tpu.memory_space<hbm>> -> memref<64xi32, #tpu.memory_space<hbm>>
    tpu.wait_dma2 semaphore(%arg15 : memref<!tpu.dma_semaphore, #tpu.memory_space<semaphore_mem>>) src(%dma_wait3A_85 : memref<64xi32, #tpu.memory_space<hbm>>) dst(%dma_wait3A_84 : memref<64xi32, #tpu.memory_space<vmem>>)
    %add3A_86 = arith.constant 4096 : i32
    %add3A_87 = arith.addi %add3A_86, %add3A_7 : i32
    %dma_wait3A_88 = arith.constant 128 : i32
    %dma_wait3A_89 = tpu.memref_slice %arg6[%dma_wait3A_88] : memref<512xi32, #tpu.memory_space<vmem>> -> memref<64xi32, #tpu.memory_space<vmem>>
    %dma_wait3A_90 = tpu.memref_slice %arg2[%add3A_87] : memref<819200xi32, #tpu.memory_space<hbm>> -> memref<64xi32, #tpu.memory_space<hbm>>
    %dma_wait3A_91 = arith.constant 128 : i32
    %dma_wait3A_92 = tpu.memref_slice %arg6[%dma_wait3A_91] : memref<512xi32, #tpu.memory_space<vmem>> -> memref<64xi32, #tpu.memory_space<vmem>>
    %dma_wait3A_93 = tpu.memref_slice %arg2[%add3A_87] : memref<819200xi32, #tpu.memory_space<hbm>> -> memref<64xi32, #tpu.memory_space<hbm>>
    tpu.wait_dma2 semaphore(%arg15 : memref<!tpu.dma_semaphore, #tpu.memory_space<semaphore_mem>>) src(%dma_wait3A_93 : memref<64xi32, #tpu.memory_space<hbm>>) dst(%dma_wait3A_92 : memref<64xi32, #tpu.memory_space<vmem>>)
    %add3A_94 = arith.constant 6144 : i32
    %add3A_95 = arith.addi %add3A_94, %add3A_7 : i32
    %dma_wait3A_96 = arith.constant 192 : i32
    %dma_wait3A_97 = tpu.memref_slice %arg6[%dma_wait3A_96] : memref<512xi32, #tpu.memory_space<vmem>> -> memref<64xi32, #tpu.memory_space<vmem>>
    %dma_wait3A_98 = tpu.memref_slice %arg2[%add3A_95] : memref<819200xi32, #tpu.memory_space<hbm>> -> memref<64xi32, #tpu.memory_space<hbm>>
    %dma_wait3A_99 = arith.constant 192 : i32
    %dma_wait3A_100 = tpu.memref_slice %arg6[%dma_wait3A_99] : memref<512xi32, #tpu.memory_space<vmem>> -> memref<64xi32, #tpu.memory_space<vmem>>
    %dma_wait3A_101 = tpu.memref_slice %arg2[%add3A_95] : memref<819200xi32, #tpu.memory_space<hbm>> -> memref<64xi32, #tpu.memory_space<hbm>>
    tpu.wait_dma2 semaphore(%arg15 : memref<!tpu.dma_semaphore, #tpu.memory_space<semaphore_mem>>) src(%dma_wait3A_101 : memref<64xi32, #tpu.memory_space<hbm>>) dst(%dma_wait3A_100 : memref<64xi32, #tpu.memory_space<vmem>>)
    %add3A_102 = arith.constant 8192 : i32
    %add3A_103 = arith.addi %add3A_102, %add3A_7 : i32
    %dma_wait3A_104 = arith.constant 256 : i32
    %dma_wait3A_105 = tpu.memref_slice %arg6[%dma_wait3A_104] : memref<512xi32, #tpu.memory_space<vmem>> -> memref<64xi32, #tpu.memory_space<vmem>>
    %dma_wait3A_106 = tpu.memref_slice %arg2[%add3A_103] : memref<819200xi32, #tpu.memory_space<hbm>> -> memref<64xi32, #tpu.memory_space<hbm>>
    %dma_wait3A_107 = arith.constant 256 : i32
    %dma_wait3A_108 = tpu.memref_slice %arg6[%dma_wait3A_107] : memref<512xi32, #tpu.memory_space<vmem>> -> memref<64xi32, #tpu.memory_space<vmem>>
    %dma_wait3A_109 = tpu.memref_slice %arg2[%add3A_103] : memref<819200xi32, #tpu.memory_space<hbm>> -> memref<64xi32, #tpu.memory_space<hbm>>
    tpu.wait_dma2 semaphore(%arg15 : memref<!tpu.dma_semaphore, #tpu.memory_space<semaphore_mem>>) src(%dma_wait3A_109 : memref<64xi32, #tpu.memory_space<hbm>>) dst(%dma_wait3A_108 : memref<64xi32, #tpu.memory_space<vmem>>)
    %add3A_110 = arith.constant 10240 : i32
    %add3A_111 = arith.addi %add3A_110, %add3A_7 : i32
    %dma_wait3A_112 = arith.constant 320 : i32
    %dma_wait3A_113 = tpu.memref_slice %arg6[%dma_wait3A_112] : memref<512xi32, #tpu.memory_space<vmem>> -> memref<64xi32, #tpu.memory_space<vmem>>
    %dma_wait3A_114 = tpu.memref_slice %arg2[%add3A_111] : memref<819200xi32, #tpu.memory_space<hbm>> -> memref<64xi32, #tpu.memory_space<hbm>>
    %dma_wait3A_115 = arith.constant 320 : i32
    %dma_wait3A_116 = tpu.memref_slice %arg6[%dma_wait3A_115] : memref<512xi32, #tpu.memory_space<vmem>> -> memref<64xi32, #tpu.memory_space<vmem>>
    %dma_wait3A_117 = tpu.memref_slice %arg2[%add3A_111] : memref<819200xi32, #tpu.memory_space<hbm>> -> memref<64xi32, #tpu.memory_space<hbm>>
    tpu.wait_dma2 semaphore(%arg15 : memref<!tpu.dma_semaphore, #tpu.memory_space<semaphore_mem>>) src(%dma_wait3A_117 : memref<64xi32, #tpu.memory_space<hbm>>) dst(%dma_wait3A_116 : memref<64xi32, #tpu.memory_space<vmem>>)
    %add3A_118 = arith.constant 12288 : i32
    %add3A_119 = arith.addi %add3A_118, %add3A_7 : i32
    %dma_wait3A_120 = arith.constant 384 : i32
    %dma_wait3A_121 = tpu.memref_slice %arg6[%dma_wait3A_120] : memref<512xi32, #tpu.memory_space<vmem>> -> memref<64xi32, #tpu.memory_space<vmem>>
    %dma_wait3A_122 = tpu.memref_slice %arg2[%add3A_119] : memref<819200xi32, #tpu.memory_space<hbm>> -> memref<64xi32, #tpu.memory_space<hbm>>
    %dma_wait3A_123 = arith.constant 384 : i32
    %dma_wait3A_124 = tpu.memref_slice %arg6[%dma_wait3A_123] : memref<512xi32, #tpu.memory_space<vmem>> -> memref<64xi32, #tpu.memory_space<vmem>>
    %dma_wait3A_125 = tpu.memref_slice %arg2[%add3A_119] : memref<819200xi32, #tpu.memory_space<hbm>> -> memref<64xi32, #tpu.memory_space<hbm>>
    tpu.wait_dma2 semaphore(%arg15 : memref<!tpu.dma_semaphore, #tpu.memory_space<semaphore_mem>>) src(%dma_wait3A_125 : memref<64xi32, #tpu.memory_space<hbm>>) dst(%dma_wait3A_124 : memref<64xi32, #tpu.memory_space<vmem>>)
    %add3A_126 = arith.constant 14336 : i32
    %add3A_127 = arith.addi %add3A_126, %add3A_7 : i32
    %dma_wait3A_128 = arith.constant 448 : i32
    %dma_wait3A_129 = tpu.memref_slice %arg6[%dma_wait3A_128] : memref<512xi32, #tpu.memory_space<vmem>> -> memref<64xi32, #tpu.memory_space<vmem>>
    %dma_wait3A_130 = tpu.memref_slice %arg2[%add3A_127] : memref<819200xi32, #tpu.memory_space<hbm>> -> memref<64xi32, #tpu.memory_space<hbm>>
    %dma_wait3A_131 = arith.constant 448 : i32
    %dma_wait3A_132 = tpu.memref_slice %arg6[%dma_wait3A_131] : memref<512xi32, #tpu.memory_space<vmem>> -> memref<64xi32, #tpu.memory_space<vmem>>
    %dma_wait3A_133 = tpu.memref_slice %arg2[%add3A_127] : memref<819200xi32, #tpu.memory_space<hbm>> -> memref<64xi32, #tpu.memory_space<hbm>>
    tpu.wait_dma2 semaphore(%arg15 : memref<!tpu.dma_semaphore, #tpu.memory_space<semaphore_mem>>) src(%dma_wait3A_133 : memref<64xi32, #tpu.memory_space<hbm>>) dst(%dma_wait3A_132 : memref<64xi32, #tpu.memory_space<vmem>>)
    %iota3A = tpu.iota {dimensions = array<i32: 0>} : vector<16xi32>
    %add3A_134 = arith.constant 0 : i32
    %add3A_135 = vector.broadcast %add3A_134 : i32 to vector<16xi32>
    %add3A_136 = arith.addi %add3A_135, %iota3A : vector<16xi32>
    %and3A_137 = arith.constant 7 : i32
    %and3A_138 = vector.broadcast %and3A_137 : i32 to vector<16xi32>
    %and3A_139 = arith.andi %add3A_136, %and3A_138 : vector<16xi32>
    %shift_left3A = arith.constant 6 : i32
    %shift_left3A_140 = vector.broadcast %shift_left3A : i32 to vector<16xi32>
    %shift_left3A_141 = arith.shli %and3A_139, %shift_left3A_140 : vector<16xi32>
    %shift_right_logical3A = arith.constant 3 : i32
    %shift_right_logical3A_142 = vector.broadcast %shift_right_logical3A : i32 to vector<16xi32>
    %shift_right_logical3A_143 = arith.shrui %add3A_136, %shift_right_logical3A_142 : vector<16xi32>
    %add3A_144 = arith.addi %shift_left3A_141, %shift_right_logical3A_143 : vector<16xi32>
    %gather3A = tpu.vector_load_idx %arg6[%add3A_144] : memref<512xi32, #tpu.memory_space<vmem>>[vector<16xi32>], vector<16xi32>,
    %swap3A = arith.constant 0 : index
    %swap3A_145 = tpu.vector_load %arg7[%swap3A] {strides = array<i32>} : memref<512xi32, #tpu.memory_space<vmem>>, vector<16xi32>,
    tpu.vector_store %arg7[%swap3A], %gather3A {strides = array<i32>} : memref<512xi32, #tpu.memory_space<vmem>>, vector<16xi32>,
    %add3A_146 = arith.constant 16 : i32
    %add3A_147 = vector.broadcast %add3A_146 : i32 to vector<16xi32>
    %add3A_148 = arith.addi %add3A_147, %iota3A : vector<16xi32>
    %and3A_149 = arith.constant 7 : i32
    %and3A_150 = vector.broadcast %and3A_149 : i32 to vector<16xi32>
    %and3A_151 = arith.andi %add3A_148, %and3A_150 : vector<16xi32>
    %shift_left3A_152 = arith.constant 6 : i32
    %shift_left3A_153 = vector.broadcast %shift_left3A_152 : i32 to vector<16xi32>
    %shift_left3A_154 = arith.shli %and3A_151, %shift_left3A_153 : vector<16xi32>
    %shift_right_logical3A_155 = arith.constant 3 : i32
    %shift_right_logical3A_156 = vector.broadcast %shift_right_logical3A_155 : i32 to vector<16xi32>
    %shift_right_logical3A_157 = arith.shrui %add3A_148, %shift_right_logical3A_156 : vector<16xi32>
    %add3A_158 = arith.addi %shift_left3A_154, %shift_right_logical3A_157 : vector<16xi32>
    %gather3A_159 = tpu.vector_load_idx %arg6[%add3A_158] : memref<512xi32, #tpu.memory_space<vmem>>[vector<16xi32>], vector<16xi32>,
    %swap3A_160 = arith.constant 16 : index
    %swap3A_161 = tpu.vector_load %arg7[%swap3A_160] {strides = array<i32>} : memref<512xi32, #tpu.memory_space<vmem>>, vector<16xi32>,
    tpu.vector_store %arg7[%swap3A_160], %gather3A_159 {strides = array<i32>} : memref<512xi32, #tpu.memory_space<vmem>>, vector<16xi32>,
    %add3A_162 = arith.constant 32 : i32
    %add3A_163 = vector.broadcast %add3A_162 : i32 to vector<16xi32>
    %add3A_164 = arith.addi %add3A_163, %iota3A : vector<16xi32>
    %and3A_165 = arith.constant 7 : i32
    %and3A_166 = vector.broadcast %and3A_165 : i32 to vector<16xi32>
    %and3A_167 = arith.andi %add3A_164, %and3A_166 : vector<16xi32>
    %shift_left3A_168 = arith.constant 6 : i32
    %shift_left3A_169 = vector.broadcast %shift_left3A_168 : i32 to vector<16xi32>
    %shift_left3A_170 = arith.shli %and3A_167, %shift_left3A_169 : vector<16xi32>
    %shift_right_logical3A_171 = arith.constant 3 : i32
    %shift_right_logical3A_172 = vector.broadcast %shift_right_logical3A_171 : i32 to vector<16xi32>
    %shift_right_logical3A_173 = arith.shrui %add3A_164, %shift_right_logical3A_172 : vector<16xi32>
    %add3A_174 = arith.addi %shift_left3A_170, %shift_right_logical3A_173 : vector<16xi32>
    %gather3A_175 = tpu.vector_load_idx %arg6[%add3A_174] : memref<512xi32, #tpu.memory_space<vmem>>[vector<16xi32>], vector<16xi32>,
    %swap3A_176 = arith.constant 32 : index
    %swap3A_177 = tpu.vector_load %arg7[%swap3A_176] {strides = array<i32>} : memref<512xi32, #tpu.memory_space<vmem>>, vector<16xi32>,
    tpu.vector_store %arg7[%swap3A_176], %gather3A_175 {strides = array<i32>} : memref<512xi32, #tpu.memory_space<vmem>>, vector<16xi32>,
    %add3A_178 = arith.constant 48 : i32
    %add3A_179 = vector.broadcast %add3A_178 : i32 to vector<16xi32>
    %add3A_180 = arith.addi %add3A_179, %iota3A : vector<16xi32>
    %and3A_181 = arith.constant 7 : i32
    %and3A_182 = vector.broadcast %and3A_181 : i32 to vector<16xi32>
    %and3A_183 = arith.andi %add3A_180, %and3A_182 : vector<16xi32>
    %shift_left3A_184 = arith.constant 6 : i32
    %shift_left3A_185 = vector.broadcast %shift_left3A_184 : i32 to vector<16xi32>
    %shift_left3A_186 = arith.shli %and3A_183, %shift_left3A_185 : vector<16xi32>
    %shift_right_logical3A_187 = arith.constant 3 : i32
    %shift_right_logical3A_188 = vector.broadcast %shift_right_logical3A_187 : i32 to vector<16xi32>
    %shift_right_logical3A_189 = arith.shrui %add3A_180, %shift_right_logical3A_188 : vector<16xi32>
    %add3A_190 = arith.addi %shift_left3A_186, %shift_right_logical3A_189 : vector<16xi32>
    %gather3A_191 = tpu.vector_load_idx %arg6[%add3A_190] : memref<512xi32, #tpu.memory_space<vmem>>[vector<16xi32>], vector<16xi32>,
    %swap3A_192 = arith.constant 48 : index
    %swap3A_193 = tpu.vector_load %arg7[%swap3A_192] {strides = array<i32>} : memref<512xi32, #tpu.memory_space<vmem>>, vector<16xi32>,
    tpu.vector_store %arg7[%swap3A_192], %gather3A_191 {strides = array<i32>} : memref<512xi32, #tpu.memory_space<vmem>>, vector<16xi32>,
    %add3A_194 = arith.constant 64 : i32
    %add3A_195 = vector.broadcast %add3A_194 : i32 to vector<16xi32>
    %add3A_196 = arith.addi %add3A_195, %iota3A : vector<16xi32>
    %and3A_197 = arith.constant 7 : i32
    %and3A_198 = vector.broadcast %and3A_197 : i32 to vector<16xi32>
    %and3A_199 = arith.andi %add3A_196, %and3A_198 : vector<16xi32>
    %shift_left3A_200 = arith.constant 6 : i32
    %shift_left3A_201 = vector.broadcast %shift_left3A_200 : i32 to vector<16xi32>
    %shift_left3A_202 = arith.shli %and3A_199, %shift_left3A_201 : vector<16xi32>
    %shift_right_logical3A_203 = arith.constant 3 : i32
    %shift_right_logical3A_204 = vector.broadcast %shift_right_logical3A_203 : i32 to vector<16xi32>
    %shift_right_logical3A_205 = arith.shrui %add3A_196, %shift_right_logical3A_204 : vector<16xi32>
    %add3A_206 = arith.addi %shift_left3A_202, %shift_right_logical3A_205 : vector<16xi32>
    %gather3A_207 = tpu.vector_load_idx %arg6[%add3A_206] : memref<512xi32, #tpu.memory_space<vmem>>[vector<16xi32>], vector<16xi32>,
    %swap3A_208 = arith.constant 64 : index
    %swap3A_209 = tpu.vector_load %arg7[%swap3A_208] {strides = array<i32>} : memref<512xi32, #tpu.memory_space<vmem>>, vector<16xi32>,
    tpu.vector_store %arg7[%swap3A_208], %gather3A_207 {strides = array<i32>} : memref<512xi32, #tpu.memory_space<vmem>>, vector<16xi32>,
    %add3A_210 = arith.constant 80 : i32
    %add3A_211 = vector.broadcast %add3A_210 : i32 to vector<16xi32>
    %add3A_212 = arith.addi %add3A_211, %iota3A : vector<16xi32>
    %and3A_213 = arith.constant 7 : i32
    %and3A_214 = vector.broadcast %and3A_213 : i32 to vector<16xi32>
    %and3A_215 = arith.andi %add3A_212, %and3A_214 : vector<16xi32>
    %shift_left3A_216 = arith.constant 6 : i32
    %shift_left3A_217 = vector.broadcast %shift_left3A_216 : i32 to vector<16xi32>
    %shift_left3A_218 = arith.shli %and3A_215, %shift_left3A_217 : vector<16xi32>
    %shift_right_logical3A_219 = arith.constant 3 : i32
    %shift_right_logical3A_220 = vector.broadcast %shift_right_logical3A_219 : i32 to vector<16xi32>
    %shift_right_logical3A_221 = arith.shrui %add3A_212, %shift_right_logical3A_220 : vector<16xi32>
    %add3A_222 = arith.addi %shift_left3A_218, %shift_right_logical3A_221 : vector<16xi32>
    %gather3A_223 = tpu.vector_load_idx %arg6[%add3A_222] : memref<512xi32, #tpu.memory_space<vmem>>[vector<16xi32>], vector<16xi32>,
    %swap3A_224 = arith.constant 80 : index
    %swap3A_225 = tpu.vector_load %arg7[%swap3A_224] {strides = array<i32>} : memref<512xi32, #tpu.memory_space<vmem>>, vector<16xi32>,
    tpu.vector_store %arg7[%swap3A_224], %gather3A_223 {strides = array<i32>} : memref<512xi32, #tpu.memory_space<vmem>>, vector<16xi32>,
    %add3A_226 = arith.constant 96 : i32
    %add3A_227 = vector.broadcast %add3A_226 : i32 to vector<16xi32>
    %add3A_228 = arith.addi %add3A_227, %iota3A : vector<16xi32>
    %and3A_229 = arith.constant 7 : i32
    %and3A_230 = vector.broadcast %and3A_229 : i32 to vector<16xi32>
    %and3A_231 = arith.andi %add3A_228, %and3A_230 : vector<16xi32>
    %shift_left3A_232 = arith.constant 6 : i32
    %shift_left3A_233 = vector.broadcast %shift_left3A_232 : i32 to vector<16xi32>
    %shift_left3A_234 = arith.shli %and3A_231, %shift_left3A_233 : vector<16xi32>
    %shift_right_logical3A_235 = arith.constant 3 : i32
    %shift_right_logical3A_236 = vector.broadcast %shift_right_logical3A_235 : i32 to vector<16xi32>
    %shift_right_logical3A_237 = arith.shrui %add3A_228, %shift_right_logical3A_236 : vector<16xi32>
    %add3A_238 = arith.addi %shift_left3A_234, %shift_right_logical3A_237 : vector<16xi32>
    %gather3A_239 = tpu.vector_load_idx %arg6[%add3A_238] : memref<512xi32, #tpu.memory_space<vmem>>[vector<16xi32>], vector<16xi32>,
    %swap3A_240 = arith.constant 96 : index
    %swap3A_241 = tpu.vector_load %arg7[%swap3A_240] {strides = array<i32>} : memref<512xi32, #tpu.memory_space<vmem>>, vector<16xi32>,
    tpu.vector_store %arg7[%swap3A_240], %gather3A_239 {strides = array<i32>} : memref<512xi32, #tpu.memory_space<vmem>>, vector<16xi32>,
    %add3A_242 = arith.constant 112 : i32
    %add3A_243 = vector.broadcast %add3A_242 : i32 to vector<16xi32>
    %add3A_244 = arith.addi %add3A_243, %iota3A : vector<16xi32>
    %and3A_245 = arith.constant 7 : i32
    %and3A_246 = vector.broadcast %and3A_245 : i32 to vector<16xi32>
    %and3A_247 = arith.andi %add3A_244, %and3A_246 : vector<16xi32>
    %shift_left3A_248 = arith.constant 6 : i32
    %shift_left3A_249 = vector.broadcast %shift_left3A_248 : i32 to vector<16xi32>
    %shift_left3A_250 = arith.shli %and3A_247, %shift_left3A_249 : vector<16xi32>
    %shift_right_logical3A_251 = arith.constant 3 : i32
    %shift_right_logical3A_252 = vector.broadcast %shift_right_logical3A_251 : i32 to vector<16xi32>
    %shift_right_logical3A_253 = arith.shrui %add3A_244, %shift_right_logical3A_252 : vector<16xi32>
    %add3A_254 = arith.addi %shift_left3A_250, %shift_right_logical3A_253 : vector<16xi32>
    %gather3A_255 = tpu.vector_load_idx %arg6[%add3A_254] : memref<512xi32, #tpu.memory_space<vmem>>[vector<16xi32>], vector<16xi32>,
    %swap3A_256 = arith.constant 112 : index
    %swap3A_257 = tpu.vector_load %arg7[%swap3A_256] {strides = array<i32>} : memref<512xi32, #tpu.memory_space<vmem>>, vector<16xi32>,
    tpu.vector_store %arg7[%swap3A_256], %gather3A_255 {strides = array<i32>} : memref<512xi32, #tpu.memory_space<vmem>>, vector<16xi32>,
    %add3A_258 = arith.constant 128 : i32
    %add3A_259 = vector.broadcast %add3A_258 : i32 to vector<16xi32>
    %add3A_260 = arith.addi %add3A_259, %iota3A : vector<16xi32>
    %and3A_261 = arith.constant 7 : i32
    %and3A_262 = vector.broadcast %and3A_261 : i32 to vector<16xi32>
    %and3A_263 = arith.andi %add3A_260, %and3A_262 : vector<16xi32>
    %shift_left3A_264 = arith.constant 6 : i32
    %shift_left3A_265 = vector.broadcast %shift_left3A_264 : i32 to vector<16xi32>
    %shift_left3A_266 = arith.shli %and3A_263, %shift_left3A_265 : vector<16xi32>
    %shift_right_logical3A_267 = arith.constant 3 : i32
    %shift_right_logical3A_268 = vector.broadcast %shift_right_logical3A_267 : i32 to vector<16xi32>
    %shift_right_logical3A_269 = arith.shrui %add3A_260, %shift_right_logical3A_268 : vector<16xi32>
    %add3A_270 = arith.addi %shift_left3A_266, %shift_right_logical3A_269 : vector<16xi32>
    %gather3A_271 = tpu.vector_load_idx %arg6[%add3A_270] : memref<512xi32, #tpu.memory_space<vmem>>[vector<16xi32>], vector<16xi32>,
    %swap3A_272 = arith.constant 128 : index
    %swap3A_273 = tpu.vector_load %arg7[%swap3A_272] {strides = array<i32>} : memref<512xi32, #tpu.memory_space<vmem>>, vector<16xi32>,
    tpu.vector_store %arg7[%swap3A_272], %gather3A_271 {strides = array<i32>} : memref<512xi32, #tpu.memory_space<vmem>>, vector<16xi32>,
    %add3A_274 = arith.constant 144 : i32
    %add3A_275 = vector.broadcast %add3A_274 : i32 to vector<16xi32>
    %add3A_276 = arith.addi %add3A_275, %iota3A : vector<16xi32>
    %and3A_277 = arith.constant 7 : i32
    %and3A_278 = vector.broadcast %and3A_277 : i32 to vector<16xi32>
    %and3A_279 = arith.andi %add3A_276, %and3A_278 : vector<16xi32>
    %shift_left3A_280 = arith.constant 6 : i32
    %shift_left3A_281 = vector.broadcast %shift_left3A_280 : i32 to vector<16xi32>
    %shift_left3A_282 = arith.shli %and3A_279, %shift_left3A_281 : vector<16xi32>
    %shift_right_logical3A_283 = arith.constant 3 : i32
    %shift_right_logical3A_284 = vector.broadcast %shift_right_logical3A_283 : i32 to vector<16xi32>
    %shift_right_logical3A_285 = arith.shrui %add3A_276, %shift_right_logical3A_284 : vector<16xi32>
    %add3A_286 = arith.addi %shift_left3A_282, %shift_right_logical3A_285 : vector<16xi32>
    %gather3A_287 = tpu.vector_load_idx %arg6[%add3A_286] : memref<512xi32, #tpu.memory_space<vmem>>[vector<16xi32>], vector<16xi32>,
    %swap3A_288 = arith.constant 144 : index
    %swap3A_289 = tpu.vector_load %arg7[%swap3A_288] {strides = array<i32>} : memref<512xi32, #tpu.memory_space<vmem>>, vector<16xi32>,
    tpu.vector_store %arg7[%swap3A_288], %gather3A_287 {strides = array<i32>} : memref<512xi32, #tpu.memory_space<vmem>>, vector<16xi32>,
    %add3A_290 = arith.constant 160 : i32
    %add3A_291 = vector.broadcast %add3A_290 : i32 to vector<16xi32>
    %add3A_292 = arith.addi %add3A_291, %iota3A : vector<16xi32>
    %and3A_293 = arith.constant 7 : i32
    %and3A_294 = vector.broadcast %and3A_293 : i32 to vector<16xi32>
    %and3A_295 = arith.andi %add3A_292, %and3A_294 : vector<16xi32>
    %shift_left3A_296 = arith.constant 6 : i32
    %shift_left3A_297 = vector.broadcast %shift_left3A_296 : i32 to vector<16xi32>
    %shift_left3A_298 = arith.shli %and3A_295, %shift_left3A_297 : vector<16xi32>
    %shift_right_logical3A_299 = arith.constant 3 : i32
    %shift_right_logical3A_300 = vector.broadcast %shift_right_logical3A_299 : i32 to vector<16xi32>
    %shift_right_logical3A_301 = arith.shrui %add3A_292, %shift_right_logical3A_300 : vector<16xi32>
    %add3A_302 = arith.addi %shift_left3A_298, %shift_right_logical3A_301 : vector<16xi32>
    %gather3A_303 = tpu.vector_load_idx %arg6[%add3A_302] : memref<512xi32, #tpu.memory_space<vmem>>[vector<16xi32>], vector<16xi32>,
    %swap3A_304 = arith.constant 160 : index
    %swap3A_305 = tpu.vector_load %arg7[%swap3A_304] {strides = array<i32>} : memref<512xi32, #tpu.memory_space<vmem>>, vector<16xi32>,
    tpu.vector_store %arg7[%swap3A_304], %gather3A_303 {strides = array<i32>} : memref<512xi32, #tpu.memory_space<vmem>>, vector<16xi32>,
    %add3A_306 = arith.constant 176 : i32
    %add3A_307 = vector.broadcast %add3A_306 : i32 to vector<16xi32>
    %add3A_308 = arith.addi %add3A_307, %iota3A : vector<16xi32>
    %and3A_309 = arith.constant 7 : i32
    %and3A_310 = vector.broadcast %and3A_309 : i32 to vector<16xi32>
    %and3A_311 = arith.andi %add3A_308, %and3A_310 : vector<16xi32>
    %shift_left3A_312 = arith.constant 6 : i32
    %shift_left3A_313 = vector.broadcast %shift_left3A_312 : i32 to vector<16xi32>
    %shift_left3A_314 = arith.shli %and3A_311, %shift_left3A_313 : vector<16xi32>
    %shift_right_logical3A_315 = arith.constant 3 : i32
    %shift_right_logical3A_316 = vector.broadcast %shift_right_logical3A_315 : i32 to vector<16xi32>
    %shift_right_logical3A_317 = arith.shrui %add3A_308, %shift_right_logical3A_316 : vector<16xi32>
    %add3A_318 = arith.addi %shift_left3A_314, %shift_right_logical3A_317 : vector<16xi32>
    %gather3A_319 = tpu.vector_load_idx %arg6[%add3A_318] : memref<512xi32, #tpu.memory_space<vmem>>[vector<16xi32>], vector<16xi32>,
    %swap3A_320 = arith.constant 176 : index
    %swap3A_321 = tpu.vector_load %arg7[%swap3A_320] {strides = array<i32>} : memref<512xi32, #tpu.memory_space<vmem>>, vector<16xi32>,
    tpu.vector_store %arg7[%swap3A_320], %gather3A_319 {strides = array<i32>} : memref<512xi32, #tpu.memory_space<vmem>>, vector<16xi32>,
    %add3A_322 = arith.constant 192 : i32
    %add3A_323 = vector.broadcast %add3A_322 : i32 to vector<16xi32>
    %add3A_324 = arith.addi %add3A_323, %iota3A : vector<16xi32>
    %and3A_325 = arith.constant 7 : i32
    %and3A_326 = vector.broadcast %and3A_325 : i32 to vector<16xi32>
    %and3A_327 = arith.andi %add3A_324, %and3A_326 : vector<16xi32>
    %shift_left3A_328 = arith.constant 6 : i32
    %shift_left3A_329 = vector.broadcast %shift_left3A_328 : i32 to vector<16xi32>
    %shift_left3A_330 = arith.shli %and3A_327, %shift_left3A_329 : vector<16xi32>
    %shift_right_logical3A_331 = arith.constant 3 : i32
    %shift_right_logical3A_332 = vector.broadcast %shift_right_logical3A_331 : i32 to vector<16xi32>
    %shift_right_logical3A_333 = arith.shrui %add3A_324, %shift_right_logical3A_332 : vector<16xi32>
    %add3A_334 = arith.addi %shift_left3A_330, %shift_right_logical3A_333 : vector<16xi32>
    %gather3A_335 = tpu.vector_load_idx %arg6[%add3A_334] : memref<512xi32, #tpu.memory_space<vmem>>[vector<16xi32>], vector<16xi32>,
    %swap3A_336 = arith.constant 192 : index
    %swap3A_337 = tpu.vector_load %arg7[%swap3A_336] {strides = array<i32>} : memref<512xi32, #tpu.memory_space<vmem>>, vector<16xi32>,
    tpu.vector_store %arg7[%swap3A_336], %gather3A_335 {strides = array<i32>} : memref<512xi32, #tpu.memory_space<vmem>>, vector<16xi32>,
    %add3A_338 = arith.constant 208 : i32
    %add3A_339 = vector.broadcast %add3A_338 : i32 to vector<16xi32>
    %add3A_340 = arith.addi %add3A_339, %iota3A : vector<16xi32>
    %and3A_341 = arith.constant 7 : i32
    %and3A_342 = vector.broadcast %and3A_341 : i32 to vector<16xi32>
    %and3A_343 = arith.andi %add3A_340, %and3A_342 : vector<16xi32>
    %shift_left3A_344 = arith.constant 6 : i32
    %shift_left3A_345 = vector.broadcast %shift_left3A_344 : i32 to vector<16xi32>
    %shift_left3A_346 = arith.shli %and3A_343, %shift_left3A_345 : vector<16xi32>
    %shift_right_logical3A_347 = arith.constant 3 : i32
    %shift_right_logical3A_348 = vector.broadcast %shift_right_logical3A_347 : i32 to vector<16xi32>
    %shift_right_logical3A_349 = arith.shrui %add3A_340, %shift_right_logical3A_348 : vector<16xi32>
    %add3A_350 = arith.addi %shift_left3A_346, %shift_right_logical3A_349 : vector<16xi32>
    %gather3A_351 = tpu.vector_load_idx %arg6[%add3A_350] : memref<512xi32, #tpu.memory_space<vmem>>[vector<16xi32>], vector<16xi32>,
    %swap3A_352 = arith.constant 208 : index
    %swap3A_353 = tpu.vector_load %arg7[%swap3A_352] {strides = array<i32>} : memref<512xi32, #tpu.memory_space<vmem>>, vector<16xi32>,
    tpu.vector_store %arg7[%swap3A_352], %gather3A_351 {strides = array<i32>} : memref<512xi32, #tpu.memory_space<vmem>>, vector<16xi32>,
    %add3A_354 = arith.constant 224 : i32
    %add3A_355 = vector.broadcast %add3A_354 : i32 to vector<16xi32>
    %add3A_356 = arith.addi %add3A_355, %iota3A : vector<16xi32>
    %and3A_357 = arith.constant 7 : i32
    %and3A_358 = vector.broadcast %and3A_357 : i32 to vector<16xi32>
    %and3A_359 = arith.andi %add3A_356, %and3A_358 : vector<16xi32>
    %shift_left3A_360 = arith.constant 6 : i32
    %shift_left3A_361 = vector.broadcast %shift_left3A_360 : i32 to vector<16xi32>
    %shift_left3A_362 = arith.shli %and3A_359, %shift_left3A_361 : vector<16xi32>
    %shift_right_logical3A_363 = arith.constant 3 : i32
    %shift_right_logical3A_364 = vector.broadcast %shift_right_logical3A_363 : i32 to vector<16xi32>
    %shift_right_logical3A_365 = arith.shrui %add3A_356, %shift_right_logical3A_364 : vector<16xi32>
    %add3A_366 = arith.addi %shift_left3A_362, %shift_right_logical3A_365 : vector<16xi32>
    %gather3A_367 = tpu.vector_load_idx %arg6[%add3A_366] : memref<512xi32, #tpu.memory_space<vmem>>[vector<16xi32>], vector<16xi32>,
    %swap3A_368 = arith.constant 224 : index
    %swap3A_369 = tpu.vector_load %arg7[%swap3A_368] {strides = array<i32>} : memref<512xi32, #tpu.memory_space<vmem>>, vector<16xi32>,
    tpu.vector_store %arg7[%swap3A_368], %gather3A_367 {strides = array<i32>} : memref<512xi32, #tpu.memory_space<vmem>>, vector<16xi32>,
    %add3A_370 = arith.constant 240 : i32
    %add3A_371 = vector.broadcast %add3A_370 : i32 to vector<16xi32>
    %add3A_372 = arith.addi %add3A_371, %iota3A : vector<16xi32>
    %and3A_373 = arith.constant 7 : i32
    %and3A_374 = vector.broadcast %and3A_373 : i32 to vector<16xi32>
    %and3A_375 = arith.andi %add3A_372, %and3A_374 : vector<16xi32>
    %shift_left3A_376 = arith.constant 6 : i32
    %shift_left3A_377 = vector.broadcast %shift_left3A_376 : i32 to vector<16xi32>
    %shift_left3A_378 = arith.shli %and3A_375, %shift_left3A_377 : vector<16xi32>
    %shift_right_logical3A_379 = arith.constant 3 : i32
    %shift_right_logical3A_380 = vector.broadcast %shift_right_logical3A_379 : i32 to vector<16xi32>
    %shift_right_logical3A_381 = arith.shrui %add3A_372, %shift_right_logical3A_380 : vector<16xi32>
    %add3A_382 = arith.addi %shift_left3A_378, %shift_right_logical3A_381 : vector<16xi32>
    %gather3A_383 = tpu.vector_load_idx %arg6[%add3A_382] : memref<512xi32, #tpu.memory_space<vmem>>[vector<16xi32>], vector<16xi32>,
    %swap3A_384 = arith.constant 240 : index
    %swap3A_385 = tpu.vector_load %arg7[%swap3A_384] {strides = array<i32>} : memref<512xi32, #tpu.memory_space<vmem>>, vector<16xi32>,
    tpu.vector_store %arg7[%swap3A_384], %gather3A_383 {strides = array<i32>} : memref<512xi32, #tpu.memory_space<vmem>>, vector<16xi32>,
    %add3A_386 = arith.constant 256 : i32
    %add3A_387 = vector.broadcast %add3A_386 : i32 to vector<16xi32>
    %add3A_388 = arith.addi %add3A_387, %iota3A : vector<16xi32>
    %and3A_389 = arith.constant 7 : i32
    %and3A_390 = vector.broadcast %and3A_389 : i32 to vector<16xi32>
    %and3A_391 = arith.andi %add3A_388, %and3A_390 : vector<16xi32>
    %shift_left3A_392 = arith.constant 6 : i32
    %shift_left3A_393 = vector.broadcast %shift_left3A_392 : i32 to vector<16xi32>
    %shift_left3A_394 = arith.shli %and3A_391, %shift_left3A_393 : vector<16xi32>
    %shift_right_logical3A_395 = arith.constant 3 : i32
    %shift_right_logical3A_396 = vector.broadcast %shift_right_logical3A_395 : i32 to vector<16xi32>
    %shift_right_logical3A_397 = arith.shrui %add3A_388, %shift_right_logical3A_396 : vector<16xi32>
    %add3A_398 = arith.addi %shift_left3A_394, %shift_right_logical3A_397 : vector<16xi32>
    %gather3A_399 = tpu.vector_load_idx %arg6[%add3A_398] : memref<512xi32, #tpu.memory_space<vmem>>[vector<16xi32>], vector<16xi32>,
    %swap3A_400 = arith.constant 256 : index
    %swap3A_401 = tpu.vector_load %arg7[%swap3A_400] {strides = array<i32>} : memref<512xi32, #tpu.memory_space<vmem>>, vector<16xi32>,
    tpu.vector_store %arg7[%swap3A_400], %gather3A_399 {strides = array<i32>} : memref<512xi32, #tpu.memory_space<vmem>>, vector<16xi32>,
    %add3A_402 = arith.constant 272 : i32
    %add3A_403 = vector.broadcast %add3A_402 : i32 to vector<16xi32>
    %add3A_404 = arith.addi %add3A_403, %iota3A : vector<16xi32>
    %and3A_405 = arith.constant 7 : i32
    %and3A_406 = vector.broadcast %and3A_405 : i32 to vector<16xi32>
    %and3A_407 = arith.andi %add3A_404, %and3A_406 : vector<16xi32>
    %shift_left3A_408 = arith.constant 6 : i32
    %shift_left3A_409 = vector.broadcast %shift_left3A_408 : i32 to vector<16xi32>
    %shift_left3A_410 = arith.shli %and3A_407, %shift_left3A_409 : vector<16xi32>
    %shift_right_logical3A_411 = arith.constant 3 : i32
    %shift_right_logical3A_412 = vector.broadcast %shift_right_logical3A_411 : i32 to vector<16xi32>
    %shift_right_logical3A_413 = arith.shrui %add3A_404, %shift_right_logical3A_412 : vector<16xi32>
    %add3A_414 = arith.addi %shift_left3A_410, %shift_right_logical3A_413 : vector<16xi32>
    %gather3A_415 = tpu.vector_load_idx %arg6[%add3A_414] : memref<512xi32, #tpu.memory_space<vmem>>[vector<16xi32>], vector<16xi32>,
    %swap3A_416 = arith.constant 272 : index
    %swap3A_417 = tpu.vector_load %arg7[%swap3A_416] {strides = array<i32>} : memref<512xi32, #tpu.memory_space<vmem>>, vector<16xi32>,
    tpu.vector_store %arg7[%swap3A_416], %gather3A_415 {strides = array<i32>} : memref<512xi32, #tpu.memory_space<vmem>>, vector<16xi32>,
    %add3A_418 = arith.constant 288 : i32
    %add3A_419 = vector.broadcast %add3A_418 : i32 to vector<16xi32>
    %add3A_420 = arith.addi %add3A_419, %iota3A : vector<16xi32>
    %and3A_421 = arith.constant 7 : i32
    %and3A_422 = vector.broadcast %and3A_421 : i32 to vector<16xi32>
    %and3A_423 = arith.andi %add3A_420, %and3A_422 : vector<16xi32>
    %shift_left3A_424 = arith.constant 6 : i32
    %shift_left3A_425 = vector.broadcast %shift_left3A_424 : i32 to vector<16xi32>
    %shift_left3A_426 = arith.shli %and3A_423, %shift_left3A_425 : vector<16xi32>
    %shift_right_logical3A_427 = arith.constant 3 : i32
    %shift_right_logical3A_428 = vector.broadcast %shift_right_logical3A_427 : i32 to vector<16xi32>
    %shift_right_logical3A_429 = arith.shrui %add3A_420, %shift_right_logical3A_428 : vector<16xi32>
    %add3A_430 = arith.addi %shift_left3A_426, %shift_right_logical3A_429 : vector<16xi32>
    %gather3A_431 = tpu.vector_load_idx %arg6[%add3A_430] : memref<512xi32, #tpu.memory_space<vmem>>[vector<16xi32>], vector<16xi32>,
    %swap3A_432 = arith.constant 288 : index
    %swap3A_433 = tpu.vector_load %arg7[%swap3A_432] {strides = array<i32>} : memref<512xi32, #tpu.memory_space<vmem>>, vector<16xi32>,
    tpu.vector_store %arg7[%swap3A_432], %gather3A_431 {strides = array<i32>} : memref<512xi32, #tpu.memory_space<vmem>>, vector<16xi32>,
    %add3A_434 = arith.constant 304 : i32
    %add3A_435 = vector.broadcast %add3A_434 : i32 to vector<16xi32>
    %add3A_436 = arith.addi %add3A_435, %iota3A : vector<16xi32>
    %and3A_437 = arith.constant 7 : i32
    %and3A_438 = vector.broadcast %and3A_437 : i32 to vector<16xi32>
    %and3A_439 = arith.andi %add3A_436, %and3A_438 : vector<16xi32>
    %shift_left3A_440 = arith.constant 6 : i32
    %shift_left3A_441 = vector.broadcast %shift_left3A_440 : i32 to vector<16xi32>
    %shift_left3A_442 = arith.shli %and3A_439, %shift_left3A_441 : vector<16xi32>
    %shift_right_logical3A_443 = arith.constant 3 : i32
    %shift_right_logical3A_444 = vector.broadcast %shift_right_logical3A_443 : i32 to vector<16xi32>
    %shift_right_logical3A_445 = arith.shrui %add3A_436, %shift_right_logical3A_444 : vector<16xi32>
    %add3A_446 = arith.addi %shift_left3A_442, %shift_right_logical3A_445 : vector<16xi32>
    %gather3A_447 = tpu.vector_load_idx %arg6[%add3A_446] : memref<512xi32, #tpu.memory_space<vmem>>[vector<16xi32>], vector<16xi32>,
    %swap3A_448 = arith.constant 304 : index
    %swap3A_449 = tpu.vector_load %arg7[%swap3A_448] {strides = array<i32>} : memref<512xi32, #tpu.memory_space<vmem>>, vector<16xi32>,
    tpu.vector_store %arg7[%swap3A_448], %gather3A_447 {strides = array<i32>} : memref<512xi32, #tpu.memory_space<vmem>>, vector<16xi32>,
    %add3A_450 = arith.constant 320 : i32
    %add3A_451 = vector.broadcast %add3A_450 : i32 to vector<16xi32>
    %add3A_452 = arith.addi %add3A_451, %iota3A : vector<16xi32>
    %and3A_453 = arith.constant 7 : i32
    %and3A_454 = vector.broadcast %and3A_453 : i32 to vector<16xi32>
    %and3A_455 = arith.andi %add3A_452, %and3A_454 : vector<16xi32>
    %shift_left3A_456 = arith.constant 6 : i32
    %shift_left3A_457 = vector.broadcast %shift_left3A_456 : i32 to vector<16xi32>
    %shift_left3A_458 = arith.shli %and3A_455, %shift_left3A_457 : vector<16xi32>
    %shift_right_logical3A_459 = arith.constant 3 : i32
    %shift_right_logical3A_460 = vector.broadcast %shift_right_logical3A_459 : i32 to vector<16xi32>
    %shift_right_logical3A_461 = arith.shrui %add3A_452, %shift_right_logical3A_460 : vector<16xi32>
    %add3A_462 = arith.addi %shift_left3A_458, %shift_right_logical3A_461 : vector<16xi32>
    %gather3A_463 = tpu.vector_load_idx %arg6[%add3A_462] : memref<512xi32, #tpu.memory_space<vmem>>[vector<16xi32>], vector<16xi32>,
    %swap3A_464 = arith.constant 320 : index
    %swap3A_465 = tpu.vector_load %arg7[%swap3A_464] {strides = array<i32>} : memref<512xi32, #tpu.memory_space<vmem>>, vector<16xi32>,
    tpu.vector_store %arg7[%swap3A_464], %gather3A_463 {strides = array<i32>} : memref<512xi32, #tpu.memory_space<vmem>>, vector<16xi32>,
    %add3A_466 = arith.constant 336 : i32
    %add3A_467 = vector.broadcast %add3A_466 : i32 to vector<16xi32>
    %add3A_468 = arith.addi %add3A_467, %iota3A : vector<16xi32>
    %and3A_469 = arith.constant 7 : i32
    %and3A_470 = vector.broadcast %and3A_469 : i32 to vector<16xi32>
    %and3A_471 = arith.andi %add3A_468, %and3A_470 : vector<16xi32>
    %shift_left3A_472 = arith.constant 6 : i32
    %shift_left3A_473 = vector.broadcast %shift_left3A_472 : i32 to vector<16xi32>
    %shift_left3A_474 = arith.shli %and3A_471, %shift_left3A_473 : vector<16xi32>
    %shift_right_logical3A_475 = arith.constant 3 : i32
    %shift_right_logical3A_476 = vector.broadcast %shift_right_logical3A_475 : i32 to vector<16xi32>
    %shift_right_logical3A_477 = arith.shrui %add3A_468, %shift_right_logical3A_476 : vector<16xi32>
    %add3A_478 = arith.addi %shift_left3A_474, %shift_right_logical3A_477 : vector<16xi32>
    %gather3A_479 = tpu.vector_load_idx %arg6[%add3A_478] : memref<512xi32, #tpu.memory_space<vmem>>[vector<16xi32>], vector<16xi32>,
    %swap3A_480 = arith.constant 336 : index
    %swap3A_481 = tpu.vector_load %arg7[%swap3A_480] {strides = array<i32>} : memref<512xi32, #tpu.memory_space<vmem>>, vector<16xi32>,
    tpu.vector_store %arg7[%swap3A_480], %gather3A_479 {strides = array<i32>} : memref<512xi32, #tpu.memory_space<vmem>>, vector<16xi32>,
    %add3A_482 = arith.constant 352 : i32
    %add3A_483 = vector.broadcast %add3A_482 : i32 to vector<16xi32>
    %add3A_484 = arith.addi %add3A_483, %iota3A : vector<16xi32>
    %and3A_485 = arith.constant 7 : i32
    %and3A_486 = vector.broadcast %and3A_485 : i32 to vector<16xi32>
    %and3A_487 = arith.andi %add3A_484, %and3A_486 : vector<16xi32>
    %shift_left3A_488 = arith.constant 6 : i32
    %shift_left3A_489 = vector.broadcast %shift_left3A_488 : i32 to vector<16xi32>
    %shift_left3A_490 = arith.shli %and3A_487, %shift_left3A_489 : vector<16xi32>
    %shift_right_logical3A_491 = arith.constant 3 : i32
    %shift_right_logical3A_492 = vector.broadcast %shift_right_logical3A_491 : i32 to vector<16xi32>
    %shift_right_logical3A_493 = arith.shrui %add3A_484, %shift_right_logical3A_492 : vector<16xi32>
    %add3A_494 = arith.addi %shift_left3A_490, %shift_right_logical3A_493 : vector<16xi32>
    %gather3A_495 = tpu.vector_load_idx %arg6[%add3A_494] : memref<512xi32, #tpu.memory_space<vmem>>[vector<16xi32>], vector<16xi32>,
    %swap3A_496 = arith.constant 352 : index
    %swap3A_497 = tpu.vector_load %arg7[%swap3A_496] {strides = array<i32>} : memref<512xi32, #tpu.memory_space<vmem>>, vector<16xi32>,
    tpu.vector_store %arg7[%swap3A_496], %gather3A_495 {strides = array<i32>} : memref<512xi32, #tpu.memory_space<vmem>>, vector<16xi32>,
    %add3A_498 = arith.constant 368 : i32
    %add3A_499 = vector.broadcast %add3A_498 : i32 to vector<16xi32>
    %add3A_500 = arith.addi %add3A_499, %iota3A : vector<16xi32>
    %and3A_501 = arith.constant 7 : i32
    %and3A_502 = vector.broadcast %and3A_501 : i32 to vector<16xi32>
    %and3A_503 = arith.andi %add3A_500, %and3A_502 : vector<16xi32>
    %shift_left3A_504 = arith.constant 6 : i32
    %shift_left3A_505 = vector.broadcast %shift_left3A_504 : i32 to vector<16xi32>
    %shift_left3A_506 = arith.shli %and3A_503, %shift_left3A_505 : vector<16xi32>
    %shift_right_logical3A_507 = arith.constant 3 : i32
    %shift_right_logical3A_508 = vector.broadcast %shift_right_logical3A_507 : i32 to vector<16xi32>
    %shift_right_logical3A_509 = arith.shrui %add3A_500, %shift_right_logical3A_508 : vector<16xi32>
    %add3A_510 = arith.addi %shift_left3A_506, %shift_right_logical3A_509 : vector<16xi32>
    %gather3A_511 = tpu.vector_load_idx %arg6[%add3A_510] : memref<512xi32, #tpu.memory_space<vmem>>[vector<16xi32>], vector<16xi32>,
    %swap3A_512 = arith.constant 368 : index
    %swap3A_513 = tpu.vector_load %arg7[%swap3A_512] {strides = array<i32>} : memref<512xi32, #tpu.memory_space<vmem>>, vector<16xi32>,
    tpu.vector_store %arg7[%swap3A_512], %gather3A_511 {strides = array<i32>} : memref<512xi32, #tpu.memory_space<vmem>>, vector<16xi32>,
    %add3A_514 = arith.constant 384 : i32
    %add3A_515 = vector.broadcast %add3A_514 : i32 to vector<16xi32>
    %add3A_516 = arith.addi %add3A_515, %iota3A : vector<16xi32>
    %and3A_517 = arith.constant 7 : i32
    %and3A_518 = vector.broadcast %and3A_517 : i32 to vector<16xi32>
    %and3A_519 = arith.andi %add3A_516, %and3A_518 : vector<16xi32>
    %shift_left3A_520 = arith.constant 6 : i32
    %shift_left3A_521 = vector.broadcast %shift_left3A_520 : i32 to vector<16xi32>
    %shift_left3A_522 = arith.shli %and3A_519, %shift_left3A_521 : vector<16xi32>
    %shift_right_logical3A_523 = arith.constant 3 : i32
    %shift_right_logical3A_524 = vector.broadcast %shift_right_logical3A_523 : i32 to vector<16xi32>
    %shift_right_logical3A_525 = arith.shrui %add3A_516, %shift_right_logical3A_524 : vector<16xi32>
    %add3A_526 = arith.addi %shift_left3A_522, %shift_right_logical3A_525 : vector<16xi32>
    %gather3A_527 = tpu.vector_load_idx %arg6[%add3A_526] : memref<512xi32, #tpu.memory_space<vmem>>[vector<16xi32>], vector<16xi32>,
    %swap3A_528 = arith.constant 384 : index
    %swap3A_529 = tpu.vector_load %arg7[%swap3A_528] {strides = array<i32>} : memref<512xi32, #tpu.memory_space<vmem>>, vector<16xi32>,
    tpu.vector_store %arg7[%swap3A_528], %gather3A_527 {strides = array<i32>} : memref<512xi32, #tpu.memory_space<vmem>>, vector<16xi32>,
    %add3A_530 = arith.constant 400 : i32
    %add3A_531 = vector.broadcast %add3A_530 : i32 to vector<16xi32>
    %add3A_532 = arith.addi %add3A_531, %iota3A : vector<16xi32>
    %and3A_533 = arith.constant 7 : i32
    %and3A_534 = vector.broadcast %and3A_533 : i32 to vector<16xi32>
    %and3A_535 = arith.andi %add3A_532, %and3A_534 : vector<16xi32>
    %shift_left3A_536 = arith.constant 6 : i32
    %shift_left3A_537 = vector.broadcast %shift_left3A_536 : i32 to vector<16xi32>
    %shift_left3A_538 = arith.shli %and3A_535, %shift_left3A_537 : vector<16xi32>
    %shift_right_logical3A_539 = arith.constant 3 : i32
    %shift_right_logical3A_540 = vector.broadcast %shift_right_logical3A_539 : i32 to vector<16xi32>
    %shift_right_logical3A_541 = arith.shrui %add3A_532, %shift_right_logical3A_540 : vector<16xi32>
    %add3A_542 = arith.addi %shift_left3A_538, %shift_right_logical3A_541 : vector<16xi32>
    %gather3A_543 = tpu.vector_load_idx %arg6[%add3A_542] : memref<512xi32, #tpu.memory_space<vmem>>[vector<16xi32>], vector<16xi32>,
    %swap3A_544 = arith.constant 400 : index
    %swap3A_545 = tpu.vector_load %arg7[%swap3A_544] {strides = array<i32>} : memref<512xi32, #tpu.memory_space<vmem>>, vector<16xi32>,
    tpu.vector_store %arg7[%swap3A_544], %gather3A_543 {strides = array<i32>} : memref<512xi32, #tpu.memory_space<vmem>>, vector<16xi32>,
    %add3A_546 = arith.constant 416 : i32
    %add3A_547 = vector.broadcast %add3A_546 : i32 to vector<16xi32>
    %add3A_548 = arith.addi %add3A_547, %iota3A : vector<16xi32>
    %and3A_549 = arith.constant 7 : i32
    %and3A_550 = vector.broadcast %and3A_549 : i32 to vector<16xi32>
    %and3A_551 = arith.andi %add3A_548, %and3A_550 : vector<16xi32>
    %shift_left3A_552 = arith.constant 6 : i32
    %shift_left3A_553 = vector.broadcast %shift_left3A_552 : i32 to vector<16xi32>
    %shift_left3A_554 = arith.shli %and3A_551, %shift_left3A_553 : vector<16xi32>
    %shift_right_logical3A_555 = arith.constant 3 : i32
    %shift_right_logical3A_556 = vector.broadcast %shift_right_logical3A_555 : i32 to vector<16xi32>
    %shift_right_logical3A_557 = arith.shrui %add3A_548, %shift_right_logical3A_556 : vector<16xi32>
    %add3A_558 = arith.addi %shift_left3A_554, %shift_right_logical3A_557 : vector<16xi32>
    %gather3A_559 = tpu.vector_load_idx %arg6[%add3A_558] : memref<512xi32, #tpu.memory_space<vmem>>[vector<16xi32>], vector<16xi32>,
    %swap3A_560 = arith.constant 416 : index
    %swap3A_561 = tpu.vector_load %arg7[%swap3A_560] {strides = array<i32>} : memref<512xi32, #tpu.memory_space<vmem>>, vector<16xi32>,
    tpu.vector_store %arg7[%swap3A_560], %gather3A_559 {strides = array<i32>} : memref<512xi32, #tpu.memory_space<vmem>>, vector<16xi32>,
    %add3A_562 = arith.constant 432 : i32
    %add3A_563 = vector.broadcast %add3A_562 : i32 to vector<16xi32>
    %add3A_564 = arith.addi %add3A_563, %iota3A : vector<16xi32>
    %and3A_565 = arith.constant 7 : i32
    %and3A_566 = vector.broadcast %and3A_565 : i32 to vector<16xi32>
    %and3A_567 = arith.andi %add3A_564, %and3A_566 : vector<16xi32>
    %shift_left3A_568 = arith.constant 6 : i32
    %shift_left3A_569 = vector.broadcast %shift_left3A_568 : i32 to vector<16xi32>
    %shift_left3A_570 = arith.shli %and3A_567, %shift_left3A_569 : vector<16xi32>
    %shift_right_logical3A_571 = arith.constant 3 : i32
    %shift_right_logical3A_572 = vector.broadcast %shift_right_logical3A_571 : i32 to vector<16xi32>
    %shift_right_logical3A_573 = arith.shrui %add3A_564, %shift_right_logical3A_572 : vector<16xi32>
    %add3A_574 = arith.addi %shift_left3A_570, %shift_right_logical3A_573 : vector<16xi32>
    %gather3A_575 = tpu.vector_load_idx %arg6[%add3A_574] : memref<512xi32, #tpu.memory_space<vmem>>[vector<16xi32>], vector<16xi32>,
    %swap3A_576 = arith.constant 432 : index
    %swap3A_577 = tpu.vector_load %arg7[%swap3A_576] {strides = array<i32>} : memref<512xi32, #tpu.memory_space<vmem>>, vector<16xi32>,
    tpu.vector_store %arg7[%swap3A_576], %gather3A_575 {strides = array<i32>} : memref<512xi32, #tpu.memory_space<vmem>>, vector<16xi32>,
    %add3A_578 = arith.constant 448 : i32
    %add3A_579 = vector.broadcast %add3A_578 : i32 to vector<16xi32>
    %add3A_580 = arith.addi %add3A_579, %iota3A : vector<16xi32>
    %and3A_581 = arith.constant 7 : i32
    %and3A_582 = vector.broadcast %and3A_581 : i32 to vector<16xi32>
    %and3A_583 = arith.andi %add3A_580, %and3A_582 : vector<16xi32>
    %shift_left3A_584 = arith.constant 6 : i32
    %shift_left3A_585 = vector.broadcast %shift_left3A_584 : i32 to vector<16xi32>
    %shift_left3A_586 = arith.shli %and3A_583, %shift_left3A_585 : vector<16xi32>
    %shift_right_logical3A_587 = arith.constant 3 : i32
    %shift_right_logical3A_588 = vector.broadcast %shift_right_logical3A_587 : i32 to vector<16xi32>
    %shift_right_logical3A_589 = arith.shrui %add3A_580, %shift_right_logical3A_588 : vector<16xi32>
    %add3A_590 = arith.addi %shift_left3A_586, %shift_right_logical3A_589 : vector<16xi32>
    %gather3A_591 = tpu.vector_load_idx %arg6[%add3A_590] : memref<512xi32, #tpu.memory_space<vmem>>[vector<16xi32>], vector<16xi32>,
    %swap3A_592 = arith.constant 448 : index
    %swap3A_593 = tpu.vector_load %arg7[%swap3A_592] {strides = array<i32>} : memref<512xi32, #tpu.memory_space<vmem>>, vector<16xi32>,
    tpu.vector_store %arg7[%swap3A_592], %gather3A_591 {strides = array<i32>} : memref<512xi32, #tpu.memory_space<vmem>>, vector<16xi32>,
    %add3A_594 = arith.constant 464 : i32
    %add3A_595 = vector.broadcast %add3A_594 : i32 to vector<16xi32>
    %add3A_596 = arith.addi %add3A_595, %iota3A : vector<16xi32>
    %and3A_597 = arith.constant 7 : i32
    %and3A_598 = vector.broadcast %and3A_597 : i32 to vector<16xi32>
    %and3A_599 = arith.andi %add3A_596, %and3A_598 : vector<16xi32>
    %shift_left3A_600 = arith.constant 6 : i32
    %shift_left3A_601 = vector.broadcast %shift_left3A_600 : i32 to vector<16xi32>
    %shift_left3A_602 = arith.shli %and3A_599, %shift_left3A_601 : vector<16xi32>
    %shift_right_logical3A_603 = arith.constant 3 : i32
    %shift_right_logical3A_604 = vector.broadcast %shift_right_logical3A_603 : i32 to vector<16xi32>
    %shift_right_logical3A_605 = arith.shrui %add3A_596, %shift_right_logical3A_604 : vector<16xi32>
    %add3A_606 = arith.addi %shift_left3A_602, %shift_right_logical3A_605 : vector<16xi32>
    %gather3A_607 = tpu.vector_load_idx %arg6[%add3A_606] : memref<512xi32, #tpu.memory_space<vmem>>[vector<16xi32>], vector<16xi32>,
    %swap3A_608 = arith.constant 464 : index
    %swap3A_609 = tpu.vector_load %arg7[%swap3A_608] {strides = array<i32>} : memref<512xi32, #tpu.memory_space<vmem>>, vector<16xi32>,
    tpu.vector_store %arg7[%swap3A_608], %gather3A_607 {strides = array<i32>} : memref<512xi32, #tpu.memory_space<vmem>>, vector<16xi32>,
    %add3A_610 = arith.constant 480 : i32
    %add3A_611 = vector.broadcast %add3A_610 : i32 to vector<16xi32>
    %add3A_612 = arith.addi %add3A_611, %iota3A : vector<16xi32>
    %and3A_613 = arith.constant 7 : i32
    %and3A_614 = vector.broadcast %and3A_613 : i32 to vector<16xi32>
    %and3A_615 = arith.andi %add3A_612, %and3A_614 : vector<16xi32>
    %shift_left3A_616 = arith.constant 6 : i32
    %shift_left3A_617 = vector.broadcast %shift_left3A_616 : i32 to vector<16xi32>
    %shift_left3A_618 = arith.shli %and3A_615, %shift_left3A_617 : vector<16xi32>
    %shift_right_logical3A_619 = arith.constant 3 : i32
    %shift_right_logical3A_620 = vector.broadcast %shift_right_logical3A_619 : i32 to vector<16xi32>
    %shift_right_logical3A_621 = arith.shrui %add3A_612, %shift_right_logical3A_620 : vector<16xi32>
    %add3A_622 = arith.addi %shift_left3A_618, %shift_right_logical3A_621 : vector<16xi32>
    %gather3A_623 = tpu.vector_load_idx %arg6[%add3A_622] : memref<512xi32, #tpu.memory_space<vmem>>[vector<16xi32>], vector<16xi32>,
    %swap3A_624 = arith.constant 480 : index
    %swap3A_625 = tpu.vector_load %arg7[%swap3A_624] {strides = array<i32>} : memref<512xi32, #tpu.memory_space<vmem>>, vector<16xi32>,
    tpu.vector_store %arg7[%swap3A_624], %gather3A_623 {strides = array<i32>} : memref<512xi32, #tpu.memory_space<vmem>>, vector<16xi32>,
    %add3A_626 = arith.constant 496 : i32
    %add3A_627 = vector.broadcast %add3A_626 : i32 to vector<16xi32>
    %add3A_628 = arith.addi %add3A_627, %iota3A : vector<16xi32>
    %and3A_629 = arith.constant 7 : i32
    %and3A_630 = vector.broadcast %and3A_629 : i32 to vector<16xi32>
    %and3A_631 = arith.andi %add3A_628, %and3A_630 : vector<16xi32>
    %shift_left3A_632 = arith.constant 6 : i32
    %shift_left3A_633 = vector.broadcast %shift_left3A_632 : i32 to vector<16xi32>
    %shift_left3A_634 = arith.shli %and3A_631, %shift_left3A_633 : vector<16xi32>
    %shift_right_logical3A_635 = arith.constant 3 : i32
    %shift_right_logical3A_636 = vector.broadcast %shift_right_logical3A_635 : i32 to vector<16xi32>
    %shift_right_logical3A_637 = arith.shrui %add3A_628, %shift_right_logical3A_636 : vector<16xi32>
    %add3A_638 = arith.addi %shift_left3A_634, %shift_right_logical3A_637 : vector<16xi32>
    %gather3A_639 = tpu.vector_load_idx %arg6[%add3A_638] : memref<512xi32, #tpu.memory_space<vmem>>[vector<16xi32>], vector<16xi32>,
    %swap3A_640 = arith.constant 496 : index
    %swap3A_641 = tpu.vector_load %arg7[%swap3A_640] {strides = array<i32>} : memref<512xi32, #tpu.memory_space<vmem>>, vector<16xi32>,
    tpu.vector_store %arg7[%swap3A_640], %gather3A_639 {strides = array<i32>} : memref<512xi32, #tpu.memory_space<vmem>>, vector<16xi32>,
    %scan3A = arith.constant 0 : i32
    %scan3A_642 = arith.constant 0 : i32
    %scan3A_643 = arith.constant 32 : i32
    %scan3A_644 = arith.addi %scan3A_642, %scan3A_643 : i32
    %scan3A_645 = arith.constant 1 : i32
    %scan3A_646 = scf.for %scan3A_744 = %scan3A_642 to %scan3A_644 step %scan3A_645 iter_args(%scan3A_745 = %scan3A) -> (i32)  : i32 {
      %mul3A_746 = arith.constant 16 : i32
      %mul3A_747 = arith.muli %scan3A_744, %mul3A_746 : i32
      %get3A = arith.index_cast %mul3A_747 : i32 to index
      %get3A_748 = tpu.vector_load %arg7[%get3A] {strides = array<i32>} : memref<512xi32, #tpu.memory_space<vmem>>, vector<16xi32>,
      %and3A_749 = arith.constant -131072 : i32
      %and3A_750 = vector.broadcast %and3A_749 : i32 to vector<16xi32>
      %and3A_751 = arith.andi %get3A_748, %and3A_750 : vector<16xi32>
      %and3A_752 = arith.constant 16383 : i32
      %and3A_753 = vector.broadcast %and3A_752 : i32 to vector<16xi32>
      %and3A_754 = arith.andi %get3A_748, %and3A_753 : vector<16xi32>
      %shift_left3A_755 = arith.constant 3 : i32
      %shift_left3A_756 = vector.broadcast %shift_left3A_755 : i32 to vector<16xi32>
      %shift_left3A_757 = arith.shli %and3A_754, %shift_left3A_756 : vector<16xi32>
      %shift_right_logical3A_758 = arith.constant 14 : i32
      %shift_right_logical3A_759 = vector.broadcast %shift_right_logical3A_758 : i32 to vector<16xi32>
      %shift_right_logical3A_760 = arith.shrui %get3A_748, %shift_right_logical3A_759 : vector<16xi32>
      %and3A_761 = arith.constant 7 : i32
      %and3A_762 = vector.broadcast %and3A_761 : i32 to vector<16xi32>
      %and3A_763 = arith.andi %shift_right_logical3A_760, %and3A_762 : vector<16xi32>
      %add3A_764 = arith.addi %and3A_751, %shift_left3A_757 : vector<16xi32>
      %add3A_765 = arith.addi %add3A_764, %and3A_763 : vector<16xi32>
      %mul3A_766 = arith.constant 16 : i32
      %mul3A_767 = arith.muli %scan3A_744, %mul3A_766 : i32
      %swap3A_768 = arith.index_cast %mul3A_767 : i32 to index
      %swap3A_769 = tpu.vector_load %arg7[%swap3A_768] {strides = array<i32>} : memref<512xi32, #tpu.memory_space<vmem>>, vector<16xi32>,
      tpu.vector_store %arg7[%swap3A_768], %add3A_765 {strides = array<i32>} : memref<512xi32, #tpu.memory_space<vmem>>, vector<16xi32>,
      %scan3A_770 = arith.constant 0 : i32
      scf.yield %scan3A_770 : i32
    }
    %scan3A_647 = arith.constant 32 : i32
    %dma_start3A_648 = arith.constant 0 : i32
    %dma_start3A_649 = arith.constant 0 : i32
    %dma_start3A_650 = tpu.memref_slice %arg3[%dma_start3A_648, %dma_start3A_649] : memref<1048576x16xf32, #tpu.memory_space<hbm>> -> memref<1048576x16xf32, #tpu.memory_space<hbm>>
    tpu.enqueue_indirect_dma source(%dma_start3A_650 : memref<1048576x16xf32, #tpu.memory_space<hbm>>) target(%arg8 : memref<512x16xf32, #tpu.memory_space<vmem>>) offsets(%arg7 : memref<512xi32, #tpu.memory_space<vmem>>) semaphore(%arg15 : memref<!tpu.dma_semaphore, #tpu.memory_space<semaphore_mem>>)
    %mul3A_651 = arith.constant 512 : i32
    %mul3A_652 = arith.muli %add3A, %mul3A_651 : i32
    %mul3A_653 = arith.constant 25088 : i32
    %mul3A_654 = arith.muli %add3A, %mul3A_653 : i32
    %add3A_655 = arith.constant 16384 : i32
    %add3A_656 = arith.addi %add3A_655, %mul3A_654 : i32
    "tpu.region"() ({
      %run_scoped3A = tpu.sem_alloc : memref<!tpu.dma_semaphore, #tpu.memory_space<semaphore_mem>>
      %dma_start3A_744 = tpu.memref_slice %arg2[%add3A_656] : memref<819200xi32, #tpu.memory_space<hbm>> -> memref<25088xi32, #tpu.memory_space<hbm>>
      %dma_start3A_745 = tpu.memref_slice %arg2[%add3A_656] : memref<819200xi32, #tpu.memory_space<hbm>> -> memref<25088xi32, #tpu.memory_space<hbm>>
      tpu.enqueue_dma source(%dma_start3A_745 : memref<25088xi32, #tpu.memory_space<hbm>>) target(%arg9 : memref<25088xi32, #tpu.memory_space<vmem>>) target_semaphore(%run_scoped3A : memref<!tpu.dma_semaphore, #tpu.memory_space<semaphore_mem>>)
      %dma_wait3A_746 = tpu.memref_slice %arg2[%add3A_656] : memref<819200xi32, #tpu.memory_space<hbm>> -> memref<25088xi32, #tpu.memory_space<hbm>>
      %dma_wait3A_747 = tpu.memref_slice %arg2[%add3A_656] : memref<819200xi32, #tpu.memory_space<hbm>> -> memref<25088xi32, #tpu.memory_space<hbm>>
      tpu.wait_dma2 semaphore(%run_scoped3A : memref<!tpu.dma_semaphore, #tpu.memory_space<semaphore_mem>>) src(%dma_wait3A_747 : memref<25088xi32, #tpu.memory_space<hbm>>) dst(%arg9 : memref<25088xi32, #tpu.memory_space<vmem>>)
      tpu.yield
    }) : () -> ()
    %scan3A_657 = arith.constant 0 : i32
    %scan3A_658 = arith.constant 0 : i32
    %scan3A_659 = arith.constant 49 : i32
    %scan3A_660 = arith.addi %scan3A_658, %scan3A_659 : i32
    %scan3A_661 = arith.constant 1 : i32
    %scan3A_662 = scf.for %scan3A_744 = %scan3A_658 to %scan3A_660 step %scan3A_661 iter_args(%scan3A_745 = %scan3A_657) -> (i32)  : i32 {
      %mul3A_746 = arith.constant 16 : i32
      %mul3A_747 = arith.muli %scan3A_744, %mul3A_746 : i32
      %add3A_748 = arith.constant 0 : i32
      %add3A_749 = arith.addi %add3A_748, %mul3A_747 : i32
      %get3A = arith.index_cast %add3A_749 : i32 to index
      %get3A_750 = tpu.vector_load %arg9[%get3A] {strides = array<i32>} : memref<25088xi32, #tpu.memory_space<vmem>>, vector<16xi32>,
      %and3A_751 = arith.constant -131072 : i32
      %and3A_752 = vector.broadcast %and3A_751 : i32 to vector<16xi32>
      %and3A_753 = arith.andi %get3A_750, %and3A_752 : vector<16xi32>
      %and3A_754 = arith.constant 16383 : i32
      %and3A_755 = vector.broadcast %and3A_754 : i32 to vector<16xi32>
      %and3A_756 = arith.andi %get3A_750, %and3A_755 : vector<16xi32>
      %shift_left3A_757 = arith.constant 3 : i32
      %shift_left3A_758 = vector.broadcast %shift_left3A_757 : i32 to vector<16xi32>
      %shift_left3A_759 = arith.shli %and3A_756, %shift_left3A_758 : vector<16xi32>
      %shift_right_logical3A_760 = arith.constant 14 : i32
      %shift_right_logical3A_761 = vector.broadcast %shift_right_logical3A_760 : i32 to vector<16xi32>
      %shift_right_logical3A_762 = arith.shrui %get3A_750, %shift_right_logical3A_761 : vector<16xi32>
      %and3A_763 = arith.constant 7 : i32
      %and3A_764 = vector.broadcast %and3A_763 : i32 to vector<16xi32>
      %and3A_765 = arith.andi %shift_right_logical3A_762, %and3A_764 : vector<16xi32>
      %add3A_766 = arith.addi %and3A_753, %shift_left3A_759 : vector<16xi32>
      %add3A_767 = arith.addi %add3A_766, %and3A_765 : vector<16xi32>
      %swap3A_768 = arith.index_cast %add3A_749 : i32 to index
      %swap3A_769 = tpu.vector_load %arg9[%swap3A_768] {strides = array<i32>} : memref<25088xi32, #tpu.memory_space<vmem>>, vector<16xi32>,
      tpu.vector_store %arg9[%swap3A_768], %add3A_767 {strides = array<i32>} : memref<25088xi32, #tpu.memory_space<vmem>>, vector<16xi32>,
      %scan3A_770 = arith.constant 0 : i32
      scf.yield %scan3A_770 : i32
    }
    %scan3A_663 = arith.constant 49 : i32
    %dma_start3A_664 = arith.constant 0 : i32
    %dma_start3A_665 = tpu.memref_slice %arg9[%dma_start3A_664] : memref<25088xi32, #tpu.memory_space<vmem>> -> memref<784xi32, #tpu.memory_space<vmem>>
    %dma_start3A_666 = arith.constant 0 : i32
    %dma_start3A_667 = arith.constant 0 : i32
    %dma_start3A_668 = tpu.memref_slice %arg3[%dma_start3A_666, %dma_start3A_667] : memref<1048576x16xf32, #tpu.memory_space<hbm>> -> memref<1048576x16xf32, #tpu.memory_space<hbm>>
    tpu.enqueue_indirect_dma source(%dma_start3A_668 : memref<1048576x16xf32, #tpu.memory_space<hbm>>) target(%arg10 : memref<784x16xf32, #tpu.memory_space<vmem>>) offsets(%dma_start3A_665 : memref<784xi32, #tpu.memory_space<vmem>>) semaphore(%arg16 : memref<!tpu.dma_semaphore, #tpu.memory_space<semaphore_mem>>)
    %scan3A_669 = arith.constant 0 : i32
    %scan3A_670 = arith.constant 0 : i32
    %scan3A_671 = arith.constant 49 : i32
    %scan3A_672 = arith.addi %scan3A_670, %scan3A_671 : i32
    %scan3A_673 = arith.constant 1 : i32
    %scan3A_674 = scf.for %scan3A_744 = %scan3A_670 to %scan3A_672 step %scan3A_673 iter_args(%scan3A_745 = %scan3A_669) -> (i32)  : i32 {
      %mul3A_746 = arith.constant 16 : i32
      %mul3A_747 = arith.muli %scan3A_744, %mul3A_746 : i32
      %add3A_748 = arith.constant 784 : i32
      %add3A_749 = arith.addi %add3A_748, %mul3A_747 : i32
      %get3A = arith.index_cast %add3A_749 : i32 to index
      %get3A_750 = tpu.vector_load %arg9[%get3A] {strides = array<i32>} : memref<25088xi32, #tpu.memory_space<vmem>>, vector<16xi32>,
      %and3A_751 = arith.constant -131072 : i32
      %and3A_752 = vector.broadcast %and3A_751 : i32 to vector<16xi32>
      %and3A_753 = arith.andi %get3A_750, %and3A_752 : vector<16xi32>
      %and3A_754 = arith.constant 16383 : i32
      %and3A_755 = vector.broadcast %and3A_754 : i32 to vector<16xi32>
      %and3A_756 = arith.andi %get3A_750, %and3A_755 : vector<16xi32>
      %shift_left3A_757 = arith.constant 3 : i32
      %shift_left3A_758 = vector.broadcast %shift_left3A_757 : i32 to vector<16xi32>
      %shift_left3A_759 = arith.shli %and3A_756, %shift_left3A_758 : vector<16xi32>
      %shift_right_logical3A_760 = arith.constant 14 : i32
      %shift_right_logical3A_761 = vector.broadcast %shift_right_logical3A_760 : i32 to vector<16xi32>
      %shift_right_logical3A_762 = arith.shrui %get3A_750, %shift_right_logical3A_761 : vector<16xi32>
      %and3A_763 = arith.constant 7 : i32
      %and3A_764 = vector.broadcast %and3A_763 : i32 to vector<16xi32>
      %and3A_765 = arith.andi %shift_right_logical3A_762, %and3A_764 : vector<16xi32>
      %add3A_766 = arith.addi %and3A_753, %shift_left3A_759 : vector<16xi32>
      %add3A_767 = arith.addi %add3A_766, %and3A_765 : vector<16xi32>
      %swap3A_768 = arith.index_cast %add3A_749 : i32 to index
      %swap3A_769 = tpu.vector_load %arg9[%swap3A_768] {strides = array<i32>} : memref<25088xi32, #tpu.memory_space<vmem>>, vector<16xi32>,
      tpu.vector_store %arg9[%swap3A_768], %add3A_767 {strides = array<i32>} : memref<25088xi32, #tpu.memory_space<vmem>>, vector<16xi32>,
      %scan3A_770 = arith.constant 0 : i32
      scf.yield %scan3A_770 : i32
    }
    %scan3A_675 = arith.constant 49 : i32
    %dma_start3A_676 = arith.constant 784 : i32
    %dma_start3A_677 = tpu.memref_slice %arg9[%dma_start3A_676] : memref<25088xi32, #tpu.memory_space<vmem>> -> memref<784xi32, #tpu.memory_space<vmem>>
    %dma_start3A_678 = arith.constant 0 : i32
    %dma_start3A_679 = arith.constant 0 : i32
    %dma_start3A_680 = tpu.memref_slice %arg3[%dma_start3A_678, %dma_start3A_679] : memref<1048576x16xf32, #tpu.memory_space<hbm>> -> memref<1048576x16xf32, #tpu.memory_space<hbm>>
    tpu.enqueue_indirect_dma source(%dma_start3A_680 : memref<1048576x16xf32, #tpu.memory_space<hbm>>) target(%arg11 : memref<784x16xf32, #tpu.memory_space<vmem>>) offsets(%dma_start3A_677 : memref<784xi32, #tpu.memory_space<vmem>>) semaphore(%arg17 : memref<!tpu.dma_semaphore, #tpu.memory_space<semaphore_mem>>)
    %scan3A_681 = arith.constant 0 : i32
    %scan3A_682 = arith.constant 0 : i32
    %scan3A_683 = arith.constant 49 : i32
    %scan3A_684 = arith.addi %scan3A_682, %scan3A_683 : i32
    %scan3A_685 = arith.constant 1 : i32
    %scan3A_686 = scf.for %scan3A_744 = %scan3A_682 to %scan3A_684 step %scan3A_685 iter_args(%scan3A_745 = %scan3A_681) -> (i32)  : i32 {
      %mul3A_746 = arith.constant 16 : i32
      %mul3A_747 = arith.muli %scan3A_744, %mul3A_746 : i32
      %add3A_748 = arith.constant 1568 : i32
      %add3A_749 = arith.addi %add3A_748, %mul3A_747 : i32
      %get3A = arith.index_cast %add3A_749 : i32 to index
      %get3A_750 = tpu.vector_load %arg9[%get3A] {strides = array<i32>} : memref<25088xi32, #tpu.memory_space<vmem>>, vector<16xi32>,
      %and3A_751 = arith.constant -131072 : i32
      %and3A_752 = vector.broadcast %and3A_751 : i32 to vector<16xi32>
      %and3A_753 = arith.andi %get3A_750, %and3A_752 : vector<16xi32>
      %and3A_754 = arith.constant 16383 : i32
      %and3A_755 = vector.broadcast %and3A_754 : i32 to vector<16xi32>
      %and3A_756 = arith.andi %get3A_750, %and3A_755 : vector<16xi32>
      %shift_left3A_757 = arith.constant 3 : i32
      %shift_left3A_758 = vector.broadcast %shift_left3A_757 : i32 to vector<16xi32>
      %shift_left3A_759 = arith.shli %and3A_756, %shift_left3A_758 : vector<16xi32>
      %shift_right_logical3A_760 = arith.constant 14 : i32
      %shift_right_logical3A_761 = vector.broadcast %shift_right_logical3A_760 : i32 to vector<16xi32>
      %shift_right_logical3A_762 = arith.shrui %get3A_750, %shift_right_logical3A_761 : vector<16xi32>
      %and3A_763 = arith.constant 7 : i32
      %and3A_764 = vector.broadcast %and3A_763 : i32 to vector<16xi32>
      %and3A_765 = arith.andi %shift_right_logical3A_762, %and3A_764 : vector<16xi32>
      %add3A_766 = arith.addi %and3A_753, %shift_left3A_759 : vector<16xi32>
      %add3A_767 = arith.addi %add3A_766, %and3A_765 : vector<16xi32>
      %swap3A_768 = arith.index_cast %add3A_749 : i32 to index
      %swap3A_769 = tpu.vector_load %arg9[%swap3A_768] {strides = array<i32>} : memref<25088xi32, #tpu.memory_space<vmem>>, vector<16xi32>,
      tpu.vector_store %arg9[%swap3A_768], %add3A_767 {strides = array<i32>} : memref<25088xi32, #tpu.memory_space<vmem>>, vector<16xi32>,
      %scan3A_770 = arith.constant 0 : i32
      scf.yield %scan3A_770 : i32
    }
    %scan3A_687 = arith.constant 49 : i32
    %dma_start3A_688 = arith.constant 1568 : i32
    %dma_start3A_689 = tpu.memref_slice %arg9[%dma_start3A_688] : memref<25088xi32, #tpu.memory_space<vmem>> -> memref<784xi32, #tpu.memory_space<vmem>>
    %dma_start3A_690 = arith.constant 0 : i32
    %dma_start3A_691 = arith.constant 0 : i32
    %dma_start3A_692 = tpu.memref_slice %arg3[%dma_start3A_690, %dma_start3A_691] : memref<1048576x16xf32, #tpu.memory_space<hbm>> -> memref<1048576x16xf32, #tpu.memory_space<hbm>>
    tpu.enqueue_indirect_dma source(%dma_start3A_692 : memref<1048576x16xf32, #tpu.memory_space<hbm>>) target(%arg12 : memref<784x16xf32, #tpu.memory_space<vmem>>) offsets(%dma_start3A_689 : memref<784xi32, #tpu.memory_space<vmem>>) semaphore(%arg18 : memref<!tpu.dma_semaphore, #tpu.memory_space<semaphore_mem>>)
    %scan3A_693 = arith.constant 0 : i32
    %scan3A_694 = arith.constant 0 : i32
    %scan3A_695 = arith.constant 49 : i32
    %scan3A_696 = arith.addi %scan3A_694, %scan3A_695 : i32
    %scan3A_697 = arith.constant 1 : i32
    %scan3A_698 = scf.for %scan3A_744 = %scan3A_694 to %scan3A_696 step %scan3A_697 iter_args(%scan3A_745 = %scan3A_693) -> (i32)  : i32 {
      %mul3A_746 = arith.constant 16 : i32
      %mul3A_747 = arith.muli %scan3A_744, %mul3A_746 : i32
      %add3A_748 = arith.constant 2352 : i32
      %add3A_749 = arith.addi %add3A_748, %mul3A_747 : i32
      %get3A = arith.index_cast %add3A_749 : i32 to index
      %get3A_750 = tpu.vector_load %arg9[%get3A] {strides = array<i32>} : memref<25088xi32, #tpu.memory_space<vmem>>, vector<16xi32>,
      %and3A_751 = arith.constant -131072 : i32
      %and3A_752 = vector.broadcast %and3A_751 : i32 to vector<16xi32>
      %and3A_753 = arith.andi %get3A_750, %and3A_752 : vector<16xi32>
      %and3A_754 = arith.constant 16383 : i32
      %and3A_755 = vector.broadcast %and3A_754 : i32 to vector<16xi32>
      %and3A_756 = arith.andi %get3A_750, %and3A_755 : vector<16xi32>
      %shift_left3A_757 = arith.constant 3 : i32
      %shift_left3A_758 = vector.broadcast %shift_left3A_757 : i32 to vector<16xi32>
      %shift_left3A_759 = arith.shli %and3A_756, %shift_left3A_758 : vector<16xi32>
      %shift_right_logical3A_760 = arith.constant 14 : i32
      %shift_right_logical3A_761 = vector.broadcast %shift_right_logical3A_760 : i32 to vector<16xi32>
      %shift_right_logical3A_762 = arith.shrui %get3A_750, %shift_right_logical3A_761 : vector<16xi32>
      %and3A_763 = arith.constant 7 : i32
      %and3A_764 = vector.broadcast %and3A_763 : i32 to vector<16xi32>
      %and3A_765 = arith.andi %shift_right_logical3A_762, %and3A_764 : vector<16xi32>
      %add3A_766 = arith.addi %and3A_753, %shift_left3A_759 : vector<16xi32>
      %add3A_767 = arith.addi %add3A_766, %and3A_765 : vector<16xi32>
      %swap3A_768 = arith.index_cast %add3A_749 : i32 to index
      %swap3A_769 = tpu.vector_load %arg9[%swap3A_768] {strides = array<i32>} : memref<25088xi32, #tpu.memory_space<vmem>>, vector<16xi32>,
      tpu.vector_store %arg9[%swap3A_768], %add3A_767 {strides = array<i32>} : memref<25088xi32, #tpu.memory_space<vmem>>, vector<16xi32>,
      %scan3A_770 = arith.constant 0 : i32
      scf.yield %scan3A_770 : i32
    }
    %scan3A_699 = arith.constant 49 : i32
    %dma_start3A_700 = arith.constant 2352 : i32
    %dma_start3A_701 = tpu.memref_slice %arg9[%dma_start3A_700] : memref<25088xi32, #tpu.memory_space<vmem>> -> memref<784xi32, #tpu.memory_space<vmem>>
    %dma_start3A_702 = arith.constant 0 : i32
    %dma_start3A_703 = arith.constant 0 : i32
    %dma_start3A_704 = tpu.memref_slice %arg3[%dma_start3A_702, %dma_start3A_703] : memref<1048576x16xf32, #tpu.memory_space<hbm>> -> memref<1048576x16xf32, #tpu.memory_space<hbm>>
    tpu.enqueue_indirect_dma source(%dma_start3A_704 : memref<1048576x16xf32, #tpu.memory_space<hbm>>) target(%arg13 : memref<784x16xf32, #tpu.memory_space<vmem>>) offsets(%dma_start3A_701 : memref<784xi32, #tpu.memory_space<vmem>>) semaphore(%arg19 : memref<!tpu.dma_semaphore, #tpu.memory_space<semaphore_mem>>)
    %dma_wait3A_705 = arith.constant 0 : i32
    %dma_wait3A_706 = arith.constant 0 : i32
    %dma_wait3A_707 = tpu.memref_slice %arg3[%dma_wait3A_705, %dma_wait3A_706] : memref<1048576x16xf32, #tpu.memory_space<hbm>> -> memref<1048576x16xf32, #tpu.memory_space<hbm>>
    tpu.wait_indirect_dma semaphore(%arg15 : memref<!tpu.dma_semaphore, #tpu.memory_space<semaphore_mem>>) src(%dma_wait3A_707 : memref<1048576x16xf32, #tpu.memory_space<hbm>>) dst(%arg8 : memref<512x16xf32, #tpu.memory_space<vmem>>)
    "tpu.region"() ({
      %run_scoped3A = tpu.sem_alloc : memref<!tpu.dma_semaphore, #tpu.memory_space<semaphore_mem>>
      %dma_start3A_744 = arith.constant 0 : i32
      %dma_start3A_745 = tpu.memref_slice %arg4[%mul3A_652, %dma_start3A_744] : memref<16384x16xf32, #tpu.memory_space<hbm>> -> memref<512x16xf32, #tpu.memory_space<hbm>>
      %dma_start3A_746 = arith.constant 0 : i32
      %dma_start3A_747 = tpu.memref_slice %arg4[%mul3A_652, %dma_start3A_746] : memref<16384x16xf32, #tpu.memory_space<hbm>> -> memref<512x16xf32, #tpu.memory_space<hbm>>
      tpu.enqueue_dma source(%arg8 : memref<512x16xf32, #tpu.memory_space<vmem>>) target(%dma_start3A_747 : memref<512x16xf32, #tpu.memory_space<hbm>>) target_semaphore(%run_scoped3A : memref<!tpu.dma_semaphore, #tpu.memory_space<semaphore_mem>>)
      %dma_wait3A_748 = arith.constant 0 : i32
      %dma_wait3A_749 = tpu.memref_slice %arg4[%mul3A_652, %dma_wait3A_748] : memref<16384x16xf32, #tpu.memory_space<hbm>> -> memref<512x16xf32, #tpu.memory_space<hbm>>
      %dma_wait3A_750 = arith.constant 0 : i32
      %dma_wait3A_751 = tpu.memref_slice %arg4[%mul3A_652, %dma_wait3A_750] : memref<16384x16xf32, #tpu.memory_space<hbm>> -> memref<512x16xf32, #tpu.memory_space<hbm>>
      tpu.wait_dma2 semaphore(%run_scoped3A : memref<!tpu.dma_semaphore, #tpu.memory_space<semaphore_mem>>) src(%arg8 : memref<512x16xf32, #tpu.memory_space<vmem>>) dst(%dma_wait3A_751 : memref<512x16xf32, #tpu.memory_space<hbm>>)
      tpu.yield
    }) : () -> ()
    %scan3A_708 = arith.constant 0 : i32
    %scan3A_709 = arith.constant 1 : i32
    %scan3A_710 = arith.constant 7 : i32
    %scan3A_711 = arith.addi %scan3A_709, %scan3A_710 : i32
    %scan3A_712 = arith.constant 1 : i32
    %scan3A_713 = scf.for %scan3A_744 = %scan3A_709 to %scan3A_711 step %scan3A_712 iter_args(%scan3A_745 = %scan3A_708) -> (i32)  : i32 {
      %mul3A_746 = arith.constant 4 : i32
      %mul3A_747 = arith.muli %mul3A_746, %scan3A_744 : i32
      %add3A_748 = arith.constant 0 : i32
      %add3A_749 = arith.addi %mul3A_747, %add3A_748 : i32
      %scan3A_750 = arith.constant 0 : i32
      %scan3A_751 = arith.constant 0 : i32
      %scan3A_752 = arith.constant 49 : i32
      %scan3A_753 = arith.addi %scan3A_751, %scan3A_752 : i32
      %scan3A_754 = arith.constant 1 : i32
      %scan3A_755 = scf.for %scan3A_835 = %scan3A_751 to %scan3A_753 step %scan3A_754 iter_args(%scan3A_836 = %scan3A_750) -> (i32)  : i32 {
        %mul3A_837 = arith.constant 784 : i32
        %mul3A_838 = arith.muli %add3A_749, %mul3A_837 : i32
        %mul3A_839 = arith.constant 16 : i32
        %mul3A_840 = arith.muli %scan3A_835, %mul3A_839 : i32
        %add3A_841 = arith.addi %mul3A_838, %mul3A_840 : i32
        %get3A = arith.index_cast %add3A_841 : i32 to index
        %get3A_842 = tpu.vector_load %arg9[%get3A] {strides = array<i32>} : memref<25088xi32, #tpu.memory_space<vmem>>, vector<16xi32>,
        %and3A_843 = arith.constant -131072 : i32
        %and3A_844 = vector.broadcast %and3A_843 : i32 to vector<16xi32>
        %and3A_845 = arith.andi %get3A_842, %and3A_844 : vector<16xi32>
        %and3A_846 = arith.constant 16383 : i32
        %and3A_847 = vector.broadcast %and3A_846 : i32 to vector<16xi32>
        %and3A_848 = arith.andi %get3A_842, %and3A_847 : vector<16xi32>
        %shift_left3A_849 = arith.constant 3 : i32
        %shift_left3A_850 = vector.broadcast %shift_left3A_849 : i32 to vector<16xi32>
        %shift_left3A_851 = arith.shli %and3A_848, %shift_left3A_850 : vector<16xi32>
        %shift_right_logical3A_852 = arith.constant 14 : i32
        %shift_right_logical3A_853 = vector.broadcast %shift_right_logical3A_852 : i32 to vector<16xi32>
        %shift_right_logical3A_854 = arith.shrui %get3A_842, %shift_right_logical3A_853 : vector<16xi32>
        %and3A_855 = arith.constant 7 : i32
        %and3A_856 = vector.broadcast %and3A_855 : i32 to vector<16xi32>
        %and3A_857 = arith.andi %shift_right_logical3A_854, %and3A_856 : vector<16xi32>
        %add3A_858 = arith.addi %and3A_845, %shift_left3A_851 : vector<16xi32>
        %add3A_859 = arith.addi %add3A_858, %and3A_857 : vector<16xi32>
        %swap3A_860 = arith.index_cast %add3A_841 : i32 to index
        %swap3A_861 = tpu.vector_load %arg9[%swap3A_860] {strides = array<i32>} : memref<25088xi32, #tpu.memory_space<vmem>>, vector<16xi32>,
        tpu.vector_store %arg9[%swap3A_860], %add3A_859 {strides = array<i32>} : memref<25088xi32, #tpu.memory_space<vmem>>, vector<16xi32>,
        %scan3A_862 = arith.constant 0 : i32
        scf.yield %scan3A_862 : i32
      }
      %scan3A_756 = arith.constant 49 : i32
      %dma_wait3A_757 = arith.constant 0 : i32
      %dma_wait3A_758 = tpu.memref_slice %arg9[%dma_wait3A_757] : memref<25088xi32, #tpu.memory_space<vmem>> -> memref<784xi32, #tpu.memory_space<vmem>>
      %dma_wait3A_759 = arith.constant 0 : i32
      %dma_wait3A_760 = arith.constant 0 : i32
      %dma_wait3A_761 = tpu.memref_slice %arg3[%dma_wait3A_759, %dma_wait3A_760] : memref<1048576x16xf32, #tpu.memory_space<hbm>> -> memref<1048576x16xf32, #tpu.memory_space<hbm>>
      tpu.wait_indirect_dma semaphore(%arg16 : memref<!tpu.dma_semaphore, #tpu.memory_space<semaphore_mem>>) src(%dma_wait3A_761 : memref<1048576x16xf32, #tpu.memory_space<hbm>>) dst(%arg10 : memref<784x16xf32, #tpu.memory_space<vmem>>)
      %mul3A_762 = arith.constant 784 : i32
      %mul3A_763 = arith.muli %add3A_749, %mul3A_762 : i32
      %dma_start3A_764 = tpu.memref_slice %arg9[%mul3A_763] : memref<25088xi32, #tpu.memory_space<vmem>> -> memref<784xi32, #tpu.memory_space<vmem>>
      %dma_start3A_765 = arith.constant 0 : i32
      %dma_start3A_766 = arith.constant 0 : i32
      %dma_start3A_767 = tpu.memref_slice %arg3[%dma_start3A_765, %dma_start3A_766] : memref<1048576x16xf32, #tpu.memory_space<hbm>> -> memref<1048576x16xf32, #tpu.memory_space<hbm>>
      tpu.enqueue_indirect_dma source(%dma_start3A_767 : memref<1048576x16xf32, #tpu.memory_space<hbm>>) target(%arg10 : memref<784x16xf32, #tpu.memory_space<vmem>>) offsets(%dma_start3A_764 : memref<784xi32, #tpu.memory_space<vmem>>) semaphore(%arg16 : memref<!tpu.dma_semaphore, #tpu.memory_space<semaphore_mem>>) {add = true}
      %mul3A_768 = arith.constant 4 : i32
      %mul3A_769 = arith.muli %mul3A_768, %scan3A_744 : i32
      %add3A_770 = arith.constant 1 : i32
      %add3A_771 = arith.addi %mul3A_769, %add3A_770 : i32
      %scan3A_772 = arith.constant 0 : i32
      %scan3A_773 = arith.constant 0 : i32
      %scan3A_774 = arith.constant 49 : i32
      %scan3A_775 = arith.addi %scan3A_773, %scan3A_774 : i32
      %scan3A_776 = arith.constant 1 : i32
      %scan3A_777 = scf.for %scan3A_835 = %scan3A_773 to %scan3A_775 step %scan3A_776 iter_args(%scan3A_836 = %scan3A_772) -> (i32)  : i32 {
        %mul3A_837 = arith.constant 784 : i32
        %mul3A_838 = arith.muli %add3A_771, %mul3A_837 : i32
        %mul3A_839 = arith.constant 16 : i32
        %mul3A_840 = arith.muli %scan3A_835, %mul3A_839 : i32
        %add3A_841 = arith.addi %mul3A_838, %mul3A_840 : i32
        %get3A = arith.index_cast %add3A_841 : i32 to index
        %get3A_842 = tpu.vector_load %arg9[%get3A] {strides = array<i32>} : memref<25088xi32, #tpu.memory_space<vmem>>, vector<16xi32>,
        %and3A_843 = arith.constant -131072 : i32
        %and3A_844 = vector.broadcast %and3A_843 : i32 to vector<16xi32>
        %and3A_845 = arith.andi %get3A_842, %and3A_844 : vector<16xi32>
        %and3A_846 = arith.constant 16383 : i32
        %and3A_847 = vector.broadcast %and3A_846 : i32 to vector<16xi32>
        %and3A_848 = arith.andi %get3A_842, %and3A_847 : vector<16xi32>
        %shift_left3A_849 = arith.constant 3 : i32
        %shift_left3A_850 = vector.broadcast %shift_left3A_849 : i32 to vector<16xi32>
        %shift_left3A_851 = arith.shli %and3A_848, %shift_left3A_850 : vector<16xi32>
        %shift_right_logical3A_852 = arith.constant 14 : i32
        %shift_right_logical3A_853 = vector.broadcast %shift_right_logical3A_852 : i32 to vector<16xi32>
        %shift_right_logical3A_854 = arith.shrui %get3A_842, %shift_right_logical3A_853 : vector<16xi32>
        %and3A_855 = arith.constant 7 : i32
        %and3A_856 = vector.broadcast %and3A_855 : i32 to vector<16xi32>
        %and3A_857 = arith.andi %shift_right_logical3A_854, %and3A_856 : vector<16xi32>
        %add3A_858 = arith.addi %and3A_845, %shift_left3A_851 : vector<16xi32>
        %add3A_859 = arith.addi %add3A_858, %and3A_857 : vector<16xi32>
        %swap3A_860 = arith.index_cast %add3A_841 : i32 to index
        %swap3A_861 = tpu.vector_load %arg9[%swap3A_860] {strides = array<i32>} : memref<25088xi32, #tpu.memory_space<vmem>>, vector<16xi32>,
        tpu.vector_store %arg9[%swap3A_860], %add3A_859 {strides = array<i32>} : memref<25088xi32, #tpu.memory_space<vmem>>, vector<16xi32>,
        %scan3A_862 = arith.constant 0 : i32
        scf.yield %scan3A_862 : i32
      }
      %scan3A_778 = arith.constant 49 : i32
      %dma_wait3A_779 = arith.constant 784 : i32
      %dma_wait3A_780 = tpu.memref_slice %arg9[%dma_wait3A_779] : memref<25088xi32, #tpu.memory_space<vmem>> -> memref<784xi32, #tpu.memory_space<vmem>>
      %dma_wait3A_781 = arith.constant 0 : i32
      %dma_wait3A_782 = arith.constant 0 : i32
      %dma_wait3A_783 = tpu.memref_slice %arg3[%dma_wait3A_781, %dma_wait3A_782] : memref<1048576x16xf32, #tpu.memory_space<hbm>> -> memref<1048576x16xf32, #tpu.memory_space<hbm>>
      tpu.wait_indirect_dma semaphore(%arg17 : memref<!tpu.dma_semaphore, #tpu.memory_space<semaphore_mem>>) src(%dma_wait3A_783 : memref<1048576x16xf32, #tpu.memory_space<hbm>>) dst(%arg11 : memref<784x16xf32, #tpu.memory_space<vmem>>)
      %mul3A_784 = arith.constant 784 : i32
      %mul3A_785 = arith.muli %add3A_771, %mul3A_784 : i32
      %dma_start3A_786 = tpu.memref_slice %arg9[%mul3A_785] : memref<25088xi32, #tpu.memory_space<vmem>> -> memref<784xi32, #tpu.memory_space<vmem>>
      %dma_start3A_787 = arith.constant 0 : i32
      %dma_start3A_788 = arith.constant 0 : i32
      %dma_start3A_789 = tpu.memref_slice %arg3[%dma_start3A_787, %dma_start3A_788] : memref<1048576x16xf32, #tpu.memory_space<hbm>> -> memref<1048576x16xf32, #tpu.memory_space<hbm>>
      tpu.enqueue_indirect_dma source(%dma_start3A_789 : memref<1048576x16xf32, #tpu.memory_space<hbm>>) target(%arg11 : memref<784x16xf32, #tpu.memory_space<vmem>>) offsets(%dma_start3A_786 : memref<784xi32, #tpu.memory_space<vmem>>) semaphore(%arg17 : memref<!tpu.dma_semaphore, #tpu.memory_space<semaphore_mem>>) {add = true}
      %mul3A_790 = arith.constant 4 : i32
      %mul3A_791 = arith.muli %mul3A_790, %scan3A_744 : i32
      %add3A_792 = arith.constant 2 : i32
      %add3A_793 = arith.addi %mul3A_791, %add3A_792 : i32
      %scan3A_794 = arith.constant 0 : i32
      %scan3A_795 = arith.constant 0 : i32
      %scan3A_796 = arith.constant 49 : i32
      %scan3A_797 = arith.addi %scan3A_795, %scan3A_796 : i32
      %scan3A_798 = arith.constant 1 : i32
      %scan3A_799 = scf.for %scan3A_835 = %scan3A_795 to %scan3A_797 step %scan3A_798 iter_args(%scan3A_836 = %scan3A_794) -> (i32)  : i32 {
        %mul3A_837 = arith.constant 784 : i32
        %mul3A_838 = arith.muli %add3A_793, %mul3A_837 : i32
        %mul3A_839 = arith.constant 16 : i32
        %mul3A_840 = arith.muli %scan3A_835, %mul3A_839 : i32
        %add3A_841 = arith.addi %mul3A_838, %mul3A_840 : i32
        %get3A = arith.index_cast %add3A_841 : i32 to index
        %get3A_842 = tpu.vector_load %arg9[%get3A] {strides = array<i32>} : memref<25088xi32, #tpu.memory_space<vmem>>, vector<16xi32>,
        %and3A_843 = arith.constant -131072 : i32
        %and3A_844 = vector.broadcast %and3A_843 : i32 to vector<16xi32>
        %and3A_845 = arith.andi %get3A_842, %and3A_844 : vector<16xi32>
        %and3A_846 = arith.constant 16383 : i32
        %and3A_847 = vector.broadcast %and3A_846 : i32 to vector<16xi32>
        %and3A_848 = arith.andi %get3A_842, %and3A_847 : vector<16xi32>
        %shift_left3A_849 = arith.constant 3 : i32
        %shift_left3A_850 = vector.broadcast %shift_left3A_849 : i32 to vector<16xi32>
        %shift_left3A_851 = arith.shli %and3A_848, %shift_left3A_850 : vector<16xi32>
        %shift_right_logical3A_852 = arith.constant 14 : i32
        %shift_right_logical3A_853 = vector.broadcast %shift_right_logical3A_852 : i32 to vector<16xi32>
        %shift_right_logical3A_854 = arith.shrui %get3A_842, %shift_right_logical3A_853 : vector<16xi32>
        %and3A_855 = arith.constant 7 : i32
        %and3A_856 = vector.broadcast %and3A_855 : i32 to vector<16xi32>
        %and3A_857 = arith.andi %shift_right_logical3A_854, %and3A_856 : vector<16xi32>
        %add3A_858 = arith.addi %and3A_845, %shift_left3A_851 : vector<16xi32>
        %add3A_859 = arith.addi %add3A_858, %and3A_857 : vector<16xi32>
        %swap3A_860 = arith.index_cast %add3A_841 : i32 to index
        %swap3A_861 = tpu.vector_load %arg9[%swap3A_860] {strides = array<i32>} : memref<25088xi32, #tpu.memory_space<vmem>>, vector<16xi32>,
        tpu.vector_store %arg9[%swap3A_860], %add3A_859 {strides = array<i32>} : memref<25088xi32, #tpu.memory_space<vmem>>, vector<16xi32>,
        %scan3A_862 = arith.constant 0 : i32
        scf.yield %scan3A_862 : i32
      }
      %scan3A_800 = arith.constant 49 : i32
      %dma_wait3A_801 = arith.constant 1568 : i32
      %dma_wait3A_802 = tpu.memref_slice %arg9[%dma_wait3A_801] : memref<25088xi32, #tpu.memory_space<vmem>> -> memref<784xi32, #tpu.memory_space<vmem>>
      %dma_wait3A_803 = arith.constant 0 : i32
      %dma_wait3A_804 = arith.constant 0 : i32
      %dma_wait3A_805 = tpu.memref_slice %arg3[%dma_wait3A_803, %dma_wait3A_804] : memref<1048576x16xf32, #tpu.memory_space<hbm>> -> memref<1048576x16xf32, #tpu.memory_space<hbm>>
      tpu.wait_indirect_dma semaphore(%arg18 : memref<!tpu.dma_semaphore, #tpu.memory_space<semaphore_mem>>) src(%dma_wait3A_805 : memref<1048576x16xf32, #tpu.memory_space<hbm>>) dst(%arg12 : memref<784x16xf32, #tpu.memory_space<vmem>>)
      %mul3A_806 = arith.constant 784 : i32
      %mul3A_807 = arith.muli %add3A_793, %mul3A_806 : i32
      %dma_start3A_808 = tpu.memref_slice %arg9[%mul3A_807] : memref<25088xi32, #tpu.memory_space<vmem>> -> memref<784xi32, #tpu.memory_space<vmem>>
      %dma_start3A_809 = arith.constant 0 : i32
      %dma_start3A_810 = arith.constant 0 : i32
      %dma_start3A_811 = tpu.memref_slice %arg3[%dma_start3A_809, %dma_start3A_810] : memref<1048576x16xf32, #tpu.memory_space<hbm>> -> memref<1048576x16xf32, #tpu.memory_space<hbm>>
      tpu.enqueue_indirect_dma source(%dma_start3A_811 : memref<1048576x16xf32, #tpu.memory_space<hbm>>) target(%arg12 : memref<784x16xf32, #tpu.memory_space<vmem>>) offsets(%dma_start3A_808 : memref<784xi32, #tpu.memory_space<vmem>>) semaphore(%arg18 : memref<!tpu.dma_semaphore, #tpu.memory_space<semaphore_mem>>) {add = true}
      %mul3A_812 = arith.constant 4 : i32
      %mul3A_813 = arith.muli %mul3A_812, %scan3A_744 : i32
      %add3A_814 = arith.constant 3 : i32
      %add3A_815 = arith.addi %mul3A_813, %add3A_814 : i32
      %scan3A_816 = arith.constant 0 : i32
      %scan3A_817 = arith.constant 0 : i32
      %scan3A_818 = arith.constant 49 : i32
      %scan3A_819 = arith.addi %scan3A_817, %scan3A_818 : i32
      %scan3A_820 = arith.constant 1 : i32
      %scan3A_821 = scf.for %scan3A_835 = %scan3A_817 to %scan3A_819 step %scan3A_820 iter_args(%scan3A_836 = %scan3A_816) -> (i32)  : i32 {
        %mul3A_837 = arith.constant 784 : i32
        %mul3A_838 = arith.muli %add3A_815, %mul3A_837 : i32
        %mul3A_839 = arith.constant 16 : i32
        %mul3A_840 = arith.muli %scan3A_835, %mul3A_839 : i32
        %add3A_841 = arith.addi %mul3A_838, %mul3A_840 : i32
        %get3A = arith.index_cast %add3A_841 : i32 to index
        %get3A_842 = tpu.vector_load %arg9[%get3A] {strides = array<i32>} : memref<25088xi32, #tpu.memory_space<vmem>>, vector<16xi32>,
        %and3A_843 = arith.constant -131072 : i32
        %and3A_844 = vector.broadcast %and3A_843 : i32 to vector<16xi32>
        %and3A_845 = arith.andi %get3A_842, %and3A_844 : vector<16xi32>
        %and3A_846 = arith.constant 16383 : i32
        %and3A_847 = vector.broadcast %and3A_846 : i32 to vector<16xi32>
        %and3A_848 = arith.andi %get3A_842, %and3A_847 : vector<16xi32>
        %shift_left3A_849 = arith.constant 3 : i32
        %shift_left3A_850 = vector.broadcast %shift_left3A_849 : i32 to vector<16xi32>
        %shift_left3A_851 = arith.shli %and3A_848, %shift_left3A_850 : vector<16xi32>
        %shift_right_logical3A_852 = arith.constant 14 : i32
        %shift_right_logical3A_853 = vector.broadcast %shift_right_logical3A_852 : i32 to vector<16xi32>
        %shift_right_logical3A_854 = arith.shrui %get3A_842, %shift_right_logical3A_853 : vector<16xi32>
        %and3A_855 = arith.constant 7 : i32
        %and3A_856 = vector.broadcast %and3A_855 : i32 to vector<16xi32>
        %and3A_857 = arith.andi %shift_right_logical3A_854, %and3A_856 : vector<16xi32>
        %add3A_858 = arith.addi %and3A_845, %shift_left3A_851 : vector<16xi32>
        %add3A_859 = arith.addi %add3A_858, %and3A_857 : vector<16xi32>
        %swap3A_860 = arith.index_cast %add3A_841 : i32 to index
        %swap3A_861 = tpu.vector_load %arg9[%swap3A_860] {strides = array<i32>} : memref<25088xi32, #tpu.memory_space<vmem>>, vector<16xi32>,
        tpu.vector_store %arg9[%swap3A_860], %add3A_859 {strides = array<i32>} : memref<25088xi32, #tpu.memory_space<vmem>>, vector<16xi32>,
        %scan3A_862 = arith.constant 0 : i32
        scf.yield %scan3A_862 : i32
      }
      %scan3A_822 = arith.constant 49 : i32
      %dma_wait3A_823 = arith.constant 2352 : i32
      %dma_wait3A_824 = tpu.memref_slice %arg9[%dma_wait3A_823] : memref<25088xi32, #tpu.memory_space<vmem>> -> memref<784xi32, #tpu.memory_space<vmem>>
      %dma_wait3A_825 = arith.constant 0 : i32
      %dma_wait3A_826 = arith.constant 0 : i32
      %dma_wait3A_827 = tpu.memref_slice %arg3[%dma_wait3A_825, %dma_wait3A_826] : memref<1048576x16xf32, #tpu.memory_space<hbm>> -> memref<1048576x16xf32, #tpu.memory_space<hbm>>
      tpu.wait_indirect_dma semaphore(%arg19 : memref<!tpu.dma_semaphore, #tpu.memory_space<semaphore_mem>>) src(%dma_wait3A_827 : memref<1048576x16xf32, #tpu.memory_space<hbm>>) dst(%arg13 : memref<784x16xf32, #tpu.memory_space<vmem>>)
      %mul3A_828 = arith.constant 784 : i32
      %mul3A_829 = arith.muli %add3A_815, %mul3A_828 : i32
      %dma_start3A_830 = tpu.memref_slice %arg9[%mul3A_829] : memref<25088xi32, #tpu.memory_space<vmem>> -> memref<784xi32, #tpu.memory_space<vmem>>
      %dma_start3A_831 = arith.constant 0 : i32
      %dma_start3A_832 = arith.constant 0 : i32
      %dma_start3A_833 = tpu.memref_slice %arg3[%dma_start3A_831, %dma_start3A_832] : memref<1048576x16xf32, #tpu.memory_space<hbm>> -> memref<1048576x16xf32, #tpu.memory_space<hbm>>
      tpu.enqueue_indirect_dma source(%dma_start3A_833 : memref<1048576x16xf32, #tpu.memory_space<hbm>>) target(%arg13 : memref<784x16xf32, #tpu.memory_space<vmem>>) offsets(%dma_start3A_830 : memref<784xi32, #tpu.memory_space<vmem>>) semaphore(%arg19 : memref<!tpu.dma_semaphore, #tpu.memory_space<semaphore_mem>>) {add = true}
      %scan3A_834 = arith.constant 0 : i32
      scf.yield %scan3A_834 : i32
    }
    %scan3A_714 = arith.constant 7 : i32
    %dma_wait3A_715 = arith.constant 0 : i32
    %dma_wait3A_716 = tpu.memref_slice %arg9[%dma_wait3A_715] : memref<25088xi32, #tpu.memory_space<vmem>> -> memref<784xi32, #tpu.memory_space<vmem>>
    %dma_wait3A_717 = arith.constant 0 : i32
    %dma_wait3A_718 = arith.constant 0 : i32
    %dma_wait3A_719 = tpu.memref_slice %arg3[%dma_wait3A_717, %dma_wait3A_718] : memref<1048576x16xf32, #tpu.memory_space<hbm>> -> memref<1048576x16xf32, #tpu.memory_space<hbm>>
    tpu.wait_indirect_dma semaphore(%arg16 : memref<!tpu.dma_semaphore, #tpu.memory_space<semaphore_mem>>) src(%dma_wait3A_719 : memref<1048576x16xf32, #tpu.memory_space<hbm>>) dst(%arg10 : memref<784x16xf32, #tpu.memory_space<vmem>>)
    %dma_wait3A_720 = arith.constant 784 : i32
    %dma_wait3A_721 = tpu.memref_slice %arg9[%dma_wait3A_720] : memref<25088xi32, #tpu.memory_space<vmem>> -> memref<784xi32, #tpu.memory_space<vmem>>
    %dma_wait3A_722 = arith.constant 0 : i32
    %dma_wait3A_723 = arith.constant 0 : i32
    %dma_wait3A_724 = tpu.memref_slice %arg3[%dma_wait3A_722, %dma_wait3A_723] : memref<1048576x16xf32, #tpu.memory_space<hbm>> -> memref<1048576x16xf32, #tpu.memory_space<hbm>>
    tpu.wait_indirect_dma semaphore(%arg17 : memref<!tpu.dma_semaphore, #tpu.memory_space<semaphore_mem>>) src(%dma_wait3A_724 : memref<1048576x16xf32, #tpu.memory_space<hbm>>) dst(%arg11 : memref<784x16xf32, #tpu.memory_space<vmem>>)
    %dma_wait3A_725 = arith.constant 1568 : i32
    %dma_wait3A_726 = tpu.memref_slice %arg9[%dma_wait3A_725] : memref<25088xi32, #tpu.memory_space<vmem>> -> memref<784xi32, #tpu.memory_space<vmem>>
    %dma_wait3A_727 = arith.constant 0 : i32
    %dma_wait3A_728 = arith.constant 0 : i32
    %dma_wait3A_729 = tpu.memref_slice %arg3[%dma_wait3A_727, %dma_wait3A_728] : memref<1048576x16xf32, #tpu.memory_space<hbm>> -> memref<1048576x16xf32, #tpu.memory_space<hbm>>
    tpu.wait_indirect_dma semaphore(%arg18 : memref<!tpu.dma_semaphore, #tpu.memory_space<semaphore_mem>>) src(%dma_wait3A_729 : memref<1048576x16xf32, #tpu.memory_space<hbm>>) dst(%arg12 : memref<784x16xf32, #tpu.memory_space<vmem>>)
    %dma_wait3A_730 = arith.constant 2352 : i32
    %dma_wait3A_731 = tpu.memref_slice %arg9[%dma_wait3A_730] : memref<25088xi32, #tpu.memory_space<vmem>> -> memref<784xi32, #tpu.memory_space<vmem>>
    %dma_wait3A_732 = arith.constant 0 : i32
    %dma_wait3A_733 = arith.constant 0 : i32
    %dma_wait3A_734 = tpu.memref_slice %arg3[%dma_wait3A_732, %dma_wait3A_733] : memref<1048576x16xf32, #tpu.memory_space<hbm>> -> memref<1048576x16xf32, #tpu.memory_space<hbm>>
    tpu.wait_indirect_dma semaphore(%arg19 : memref<!tpu.dma_semaphore, #tpu.memory_space<semaphore_mem>>) src(%dma_wait3A_734 : memref<1048576x16xf32, #tpu.memory_space<hbm>>) dst(%arg13 : memref<784x16xf32, #tpu.memory_space<vmem>>)
    %broadcast_in_dim3A = arith.constant 0.000000e+00 : f32
    %broadcast_in_dim3A_735 = vector.broadcast %broadcast_in_dim3A : f32 to vector<16xf32>
    %scan3A_736 = arith.constant 0 : i32
    %scan3A_737 = arith.constant 784 : i32
    %scan3A_738 = arith.addi %scan3A_736, %scan3A_737 : i32
    %scan3A_739 = arith.constant 1 : i32
    %scan3A_740 = scf.for %scan3A_744 = %scan3A_736 to %scan3A_738 step %scan3A_739 iter_args(%scan3A_745 = %broadcast_in_dim3A_735) -> (vector<16xf32>)  : i32 {
      %get3A = arith.index_cast %scan3A_744 : i32 to index
      %get3A_746 = arith.constant 0 : index
      %get3A_747 = tpu.vector_load %arg10[%get3A, %get3A_746] {strides = array<i32>} : memref<784x16xf32, #tpu.memory_space<vmem>>, vector<16xf32>,
      %add3A_748 = arith.addf %scan3A_745, %get3A_747 : vector<16xf32>
      %get3A_749 = arith.index_cast %scan3A_744 : i32 to index
      %get3A_750 = arith.constant 0 : index
      %get3A_751 = tpu.vector_load %arg11[%get3A_749, %get3A_750] {strides = array<i32>} : memref<784x16xf32, #tpu.memory_space<vmem>>, vector<16xf32>,
      %add3A_752 = arith.addf %add3A_748, %get3A_751 : vector<16xf32>
      %get3A_753 = arith.index_cast %scan3A_744 : i32 to index
      %get3A_754 = arith.constant 0 : index
      %get3A_755 = tpu.vector_load %arg12[%get3A_753, %get3A_754] {strides = array<i32>} : memref<784x16xf32, #tpu.memory_space<vmem>>, vector<16xf32>,
      %add3A_756 = arith.addf %add3A_752, %get3A_755 : vector<16xf32>
      %get3A_757 = arith.index_cast %scan3A_744 : i32 to index
      %get3A_758 = arith.constant 0 : index
      %get3A_759 = tpu.vector_load %arg13[%get3A_757, %get3A_758] {strides = array<i32>} : memref<784x16xf32, #tpu.memory_space<vmem>>, vector<16xf32>,
      %add3A_760 = arith.addf %add3A_756, %get3A_759 : vector<16xf32>
      scf.yield %add3A_760 : vector<16xf32>
    }
    %scan3A_741 = arith.constant 784 : i32
    %swap3A_742 = arith.constant 0 : index
    %swap3A_743 = tpu.vector_load %arg14[%swap3A_742] {strides = array<i32>} : memref<16xf32, #tpu.memory_space<vmem>>, vector<16xf32>,
    tpu.vector_store %arg14[%swap3A_742], %scan3A_740 {strides = array<i32>} : memref<16xf32, #tpu.memory_space<vmem>>, vector<16xf32>,
    "tpu.region"() ({
      %run_scoped3A = tpu.sem_alloc : memref<!tpu.dma_semaphore, #tpu.memory_space<semaphore_mem>>
      %dma_start3A_744 = arith.constant 0 : i32
      %dma_start3A_745 = tpu.memref_slice %arg5[%add3A, %dma_start3A_744] : memref<32x16xf32, #tpu.memory_space<hbm>> -> memref<1x16xf32, #tpu.memory_space<hbm>>
      %dma_start3A_746 = tpu.memref_squeeze %dma_start3A_745 : memref<1x16xf32, #tpu.memory_space<hbm>> -> memref<16xf32, #tpu.memory_space<hbm>>
      %dma_start3A_747 = arith.constant 0 : i32
      %dma_start3A_748 = tpu.memref_slice %arg5[%add3A, %dma_start3A_747] : memref<32x16xf32, #tpu.memory_space<hbm>> -> memref<1x16xf32, #tpu.memory_space<hbm>>
      %dma_start3A_749 = tpu.memref_squeeze %dma_start3A_748 : memref<1x16xf32, #tpu.memory_space<hbm>> -> memref<16xf32, #tpu.memory_space<hbm>>
      tpu.enqueue_dma source(%arg14 : memref<16xf32, #tpu.memory_space<vmem>>) target(%dma_start3A_749 : memref<16xf32, #tpu.memory_space<hbm>>) target_semaphore(%run_scoped3A : memref<!tpu.dma_semaphore, #tpu.memory_space<semaphore_mem>>)
      %dma_wait3A_750 = arith.constant 0 : i32
      %dma_wait3A_751 = tpu.memref_slice %arg5[%add3A, %dma_wait3A_750] : memref<32x16xf32, #tpu.memory_space<hbm>> -> memref<1x16xf32, #tpu.memory_space<hbm>>
      %dma_wait3A_752 = tpu.memref_squeeze %dma_wait3A_751 : memref<1x16xf32, #tpu.memory_space<hbm>> -> memref<16xf32, #tpu.memory_space<hbm>>
      %dma_wait3A_753 = arith.constant 0 : i32
      %dma_wait3A_754 = tpu.memref_slice %arg5[%add3A, %dma_wait3A_753] : memref<32x16xf32, #tpu.memory_space<hbm>> -> memref<1x16xf32, #tpu.memory_space<hbm>>
      %dma_wait3A_755 = tpu.memref_squeeze %dma_wait3A_754 : memref<1x16xf32, #tpu.memory_space<hbm>> -> memref<16xf32, #tpu.memory_space<hbm>>
      tpu.wait_dma2 semaphore(%run_scoped3A : memref<!tpu.dma_semaphore, #tpu.memory_space<semaphore_mem>>) src(%arg14 : memref<16xf32, #tpu.memory_space<vmem>>) dst(%dma_wait3A_755 : memref<16xf32, #tpu.memory_space<hbm>>)
      tpu.yield
    }) : () -> ()
    return
  }
}

module attributes {stable_mosaic.version = 14 : i64} {
  func.func @body(%arg0: i32, %arg1: memref<32x131072xf32, #tpu.memory_space<vmem>>, %arg2: memref<16x32xf32, #tpu.memory_space<vmem>>, %arg3: memref<16x1xf32, #tpu.memory_space<vmem>>, %arg4: memref<16384x128xf32, #tpu.memory_space<vmem>>) attributes {dimension_semantics = [#tpu.dimension_semantics<arbitrary>], iteration_bounds = array<i64: 8>, scalar_prefetch = 0 : i64, scratch_operands = 0 : i64, tpu.core_type = #tpu.core_type<tc>, window_params = [{transform_indices = @transform_0, window_bounds = array<i64: 32, 131072>}, {pipeline_mode = #tpu.pipeline_mode<synchronous>, transform_indices = @transform_1, window_bounds = array<i64: 16, 32>}, {pipeline_mode = #tpu.pipeline_mode<synchronous>, transform_indices = @transform_2, window_bounds = array<i64: 16, 1>}, {transform_indices = @transform_3, window_bounds = array<i64: 16384, 128>}]} {
    %get3A = arith.constant 0 : index
    %get3A_0 = arith.constant 0 : index
    %get3A_1 = vector.load %arg1[%get3A, %get3A_0] : memref<32x131072xf32, #tpu.memory_space<vmem>>, vector<32x131072xf32>
    %get3A_2 = arith.constant 0 : index
    %get3A_3 = arith.constant 0 : index
    %get3A_4 = vector.load %arg2[%get3A_2, %get3A_3] : memref<16x32xf32, #tpu.memory_space<vmem>>, vector<16x32xf32>
    %dot_general3A = arith.constant dense<0.000000e+00> : vector<16x131072xf32>
    %dot_general3A_5 = tpu.matmul %get3A_4, %get3A_1, %dot_general3A {dimension_numbers = #tpu.dot_dimension_numbers<[1], [0], [0], [1], [0, 0, 1, 1], [], []>, transpose_lhs_hint = false} : vector<16x32xf32>, vector<32x131072xf32>, vector<16x131072xf32> -> vector<16x131072xf32>
    %get3A_6 = arith.constant 0 : index
    %get3A_7 = arith.constant 0 : index
    %get3A_8 = vector.load %arg3[%get3A_6, %get3A_7] : memref<16x1xf32, #tpu.memory_space<vmem>>, vector<16x1xf32>
    %add3A = vector.broadcast %get3A_8 : vector<16x1xf32> to vector<16x131072xf32>
    %add3A_9 = arith.addf %dot_general3A_5, %add3A : vector<16x131072xf32>
    %slice3A = vector.extract_strided_slice %add3A_9 {offsets = [0, 0], sizes = [16, 16384], strides = [1, 1]} : vector<16x131072xf32> to vector<16x16384xf32>
    %slice3A_10 = vector.extract_strided_slice %add3A_9 {offsets = [0, 16384], sizes = [16, 16384], strides = [1, 1]} : vector<16x131072xf32> to vector<16x16384xf32>
    %slice3A_11 = vector.extract_strided_slice %add3A_9 {offsets = [0, 32768], sizes = [16, 16384], strides = [1, 1]} : vector<16x131072xf32> to vector<16x16384xf32>
    %slice3A_12 = vector.extract_strided_slice %add3A_9 {offsets = [0, 49152], sizes = [16, 16384], strides = [1, 1]} : vector<16x131072xf32> to vector<16x16384xf32>
    %slice3A_13 = vector.extract_strided_slice %add3A_9 {offsets = [0, 65536], sizes = [16, 16384], strides = [1, 1]} : vector<16x131072xf32> to vector<16x16384xf32>
    %slice3A_14 = vector.extract_strided_slice %add3A_9 {offsets = [0, 81920], sizes = [16, 16384], strides = [1, 1]} : vector<16x131072xf32> to vector<16x16384xf32>
    %slice3A_15 = vector.extract_strided_slice %add3A_9 {offsets = [0, 98304], sizes = [16, 16384], strides = [1, 1]} : vector<16x131072xf32> to vector<16x16384xf32>
    %slice3A_16 = vector.extract_strided_slice %add3A_9 {offsets = [0, 114688], sizes = [16, 16384], strides = [1, 1]} : vector<16x131072xf32> to vector<16x16384xf32>
    %concatenate3A = tpu.concatenate %slice3A, %slice3A_10, %slice3A_11, %slice3A_12, %slice3A_13, %slice3A_14, %slice3A_15, %slice3A_16 in 0 : vector<16x16384xf32>, vector<16x16384xf32>, vector<16x16384xf32>, vector<16x16384xf32>, vector<16x16384xf32>, vector<16x16384xf32>, vector<16x16384xf32>, vector<16x16384xf32> -> vector<128x16384xf32>
    %transpose3A = tpu.transpose %concatenate3A, [1, 0] : vector<128x16384xf32> -> vector<16384x128xf32>
    %swap3A = arith.constant 0 : index
    %swap3A_17 = arith.constant 0 : index
    %swap3A_18 = vector.load %arg4[%swap3A, %swap3A_17] : memref<16384x128xf32, #tpu.memory_space<vmem>>, vector<16384x128xf32>
    tpu.vector_store %arg4[%swap3A, %swap3A_17], %transpose3A {strides = array<i32>} : memref<16384x128xf32, #tpu.memory_space<vmem>>, vector<16384x128xf32>,
    return
  }
  func.func @transform_0(%arg0: i32) -> (i32, i32) {
    %c0_i32 = arith.constant 0 : i32
    %c0_i32_0 = arith.constant 0 : i32
    return %c0_i32, %arg0 : i32, i32
  }
  func.func @transform_1(%arg0: i32) -> (i32, i32) {
    %c0_i32 = arith.constant 0 : i32
    %c0_i32_0 = arith.constant 0 : i32
    %c0_i32_1 = arith.constant 0 : i32
    return %c0_i32, %c0_i32_0 : i32, i32
  }
  func.func @transform_2(%arg0: i32) -> (i32, i32) {
    %c0_i32 = arith.constant 0 : i32
    %c0_i32_0 = arith.constant 0 : i32
    %c0_i32_1 = arith.constant 0 : i32
    return %c0_i32, %c0_i32_0 : i32, i32
  }
  func.func @transform_3(%arg0: i32) -> (i32, i32) {
    %c0_i32 = arith.constant 0 : i32
    %c0_i32_0 = arith.constant 0 : i32
    return %arg0, %c0_i32 : i32, i32
  }
}

module attributes {stable_mosaic.version = 14 : i64} {
  func.func @body(%arg0: memref<2048x128xf32, #tpu.memory_space<vmem>>, %arg1: memref<4x128xf32, #tpu.memory_space<vmem>>, %arg2: memref<16x16384xf32, #tpu.memory_space<vmem>>) attributes {dimension_semantics = [], scalar_prefetch = 0 : i64, scratch_operands = 0 : i64, tpu.core_type = #tpu.core_type<tc>} {
    %get3A = arith.constant 0 : index
    %get3A_0 = arith.constant 0 : index
    %get3A_1 = vector.load %arg0[%get3A, %get3A_0] : memref<2048x128xf32, #tpu.memory_space<vmem>>, vector<2048x128xf32>
    %get3A_2 = arith.constant 0 : index
    %get3A_3 = arith.constant 0 : index
    %get3A_4 = vector.load %arg1[%get3A_2, %get3A_3] : memref<4x128xf32, #tpu.memory_space<vmem>>, vector<4x128xf32>
    %reduce_sum3A = arith.constant dense<0.000000e+00> : vector<128xf32>
    %reduce_sum3A_5 = vector.multi_reduction <add>, %get3A_4, %reduce_sum3A [0] : vector<4x128xf32> to vector<128xf32>
    %broadcast_in_dim3A = vector.shape_cast %reduce_sum3A_5 : vector<128xf32> to vector<1x128xf32>
    %iota3A = tpu.iota {dimensions = array<i32: 0>} : vector<128x16xi32>
    %jit3A = arith.constant 16 : i32
    %eq3A = arith.constant 0 : i32
    %eq3A_6 = arith.cmpi eq, %jit3A, %eq3A : i32
    %jit3A_7 = arith.constant 1 : i32
    %select_n3A = arith.select %eq3A_6, %jit3A_7, %jit3A : i32
    %rem3A = vector.broadcast %select_n3A : i32 to vector<128x16xi32>
    %rem3A_8 = arith.remsi %iota3A, %rem3A : vector<128x16xi32>
    %ne3A = arith.constant 0 : i32
    %ne3A_9 = vector.broadcast %ne3A : i32 to vector<128x16xi32>
    %ne3A_10 = arith.cmpi ne, %rem3A_8, %ne3A_9 : vector<128x16xi32>
    %lt3A = arith.constant 0 : i32
    %lt3A_11 = vector.broadcast %lt3A : i32 to vector<128x16xi32>
    %lt3A_12 = arith.cmpi slt, %rem3A_8, %lt3A_11 : vector<128x16xi32>
    %lt3A_13 = arith.constant 0 : i32
    %lt3A_14 = arith.cmpi slt, %select_n3A, %lt3A_13 : i32
    %ne3A_15 = vector.broadcast %lt3A_14 : i1 to vector<128x16xi1>
    %ne3A_16 = vector.broadcast %ne3A_15 : vector<128x16xi1> to vector<128x16xi1>
    %ne3A_17 = arith.xori %lt3A_12, %ne3A_16 : vector<128x16xi1>
    %and3A = arith.andi %ne3A_17, %ne3A_10 : vector<128x16xi1>
    %add3A = vector.broadcast %select_n3A : i32 to vector<128x16xi32>
    %add3A_18 = arith.addi %rem3A_8, %add3A : vector<128x16xi32>
    %select_n3A_19 = arith.select %and3A, %add3A_18, %rem3A_8 : vector<128x16xi1>, vector<128x16xi32>
    %iota3A_20 = tpu.iota {dimensions = array<i32: 1>} : vector<128x16xi32>
    %eq3A_21 = arith.cmpi eq, %select_n3A_19, %iota3A_20 : vector<128x16xi32>
    %jit3A_22 = arith.constant 1.000000e+00 : f32
    %jit3A_23 = arith.constant 0.000000e+00 : f32
    %broadcast_in_dim3A_24 = vector.broadcast %jit3A_22 : f32 to vector<128x16xf32>
    %broadcast_in_dim3A_25 = vector.broadcast %jit3A_23 : f32 to vector<128x16xf32>
    %select_n3A_26 = arith.select %eq3A_21, %broadcast_in_dim3A_24, %broadcast_in_dim3A_25 : vector<128x16xi1>, vector<128x16xf32>
    %dot_general3A = arith.constant dense<0.000000e+00> : vector<1x16xf32>
    %dot_general3A_27 = tpu.matmul %broadcast_in_dim3A, %select_n3A_26, %dot_general3A {dimension_numbers = #tpu.dot_dimension_numbers<[1], [0], [0], [1], [0, 0, 1, 1], [], []>, transpose_lhs_hint = false} : vector<1x128xf32>, vector<128x16xf32>, vector<1x16xf32> -> vector<1x16xf32>
    %slice3A = vector.extract_strided_slice %get3A_1 {offsets = [2047, 112], sizes = [1, 16], strides = [1, 1]} : vector<2048x128xf32> to vector<1x16xf32>
    %add3A_28 = arith.addf %dot_general3A_27, %slice3A : vector<1x16xf32>
    %div3A = arith.constant 8.028170e+05 : f32
    %div3A_29 = vector.broadcast %div3A : f32 to vector<1x16xf32>
    %div3A_30 = arith.divf %add3A_28, %div3A_29 : vector<1x16xf32>
    %slice3A_31 = vector.extract_strided_slice %get3A_1 {offsets = [2047, 0], sizes = [1, 112], strides = [1, 1]} : vector<2048x128xf32> to vector<1x112xf32>
    %concatenate3A = tpu.concatenate %slice3A_31, %div3A_30 in 1 : vector<1x112xf32>, vector<1x16xf32> -> vector<1x128xf32>
    %iota3A_32 = tpu.iota {dimensions = array<i32: 0>} : vector<2048x1xi32>
    %eq3A_33 = arith.constant 2047 : i32
    %eq3A_34 = vector.broadcast %eq3A_33 : i32 to vector<2048x1xi32>
    %eq3A_35 = arith.cmpi eq, %iota3A_32, %eq3A_34 : vector<2048x1xi32>
    %broadcast_in_dim3A_36 = vector.shape_cast %eq3A_35 : vector<2048x1xi1> to vector<2048x1xi1>
    %broadcast_in_dim3A_37 = vector.broadcast %broadcast_in_dim3A_36 : vector<2048x1xi1> to vector<2048x128xi1>
    %broadcast_in_dim3A_38 = vector.shape_cast %concatenate3A : vector<1x128xf32> to vector<1x128xf32>
    %broadcast_in_dim3A_39 = vector.broadcast %broadcast_in_dim3A_38 : vector<1x128xf32> to vector<2048x128xf32>
    %select_n3A_40 = arith.select %broadcast_in_dim3A_37, %broadcast_in_dim3A_39, %get3A_1 : vector<2048x128xi1>, vector<2048x128xf32>
    %transpose3A = tpu.transpose %select_n3A_40, [1, 0] : vector<2048x128xf32> -> vector<128x2048xf32>
    %slice3A_41 = vector.extract_strided_slice %transpose3A {offsets = [0, 0], sizes = [16, 2048], strides = [1, 1]} : vector<128x2048xf32> to vector<16x2048xf32>
    %slice3A_42 = vector.extract_strided_slice %transpose3A {offsets = [16, 0], sizes = [16, 2048], strides = [1, 1]} : vector<128x2048xf32> to vector<16x2048xf32>
    %slice3A_43 = vector.extract_strided_slice %transpose3A {offsets = [32, 0], sizes = [16, 2048], strides = [1, 1]} : vector<128x2048xf32> to vector<16x2048xf32>
    %slice3A_44 = vector.extract_strided_slice %transpose3A {offsets = [48, 0], sizes = [16, 2048], strides = [1, 1]} : vector<128x2048xf32> to vector<16x2048xf32>
    %slice3A_45 = vector.extract_strided_slice %transpose3A {offsets = [64, 0], sizes = [16, 2048], strides = [1, 1]} : vector<128x2048xf32> to vector<16x2048xf32>
    %slice3A_46 = vector.extract_strided_slice %transpose3A {offsets = [80, 0], sizes = [16, 2048], strides = [1, 1]} : vector<128x2048xf32> to vector<16x2048xf32>
    %slice3A_47 = vector.extract_strided_slice %transpose3A {offsets = [96, 0], sizes = [16, 2048], strides = [1, 1]} : vector<128x2048xf32> to vector<16x2048xf32>
    %slice3A_48 = vector.extract_strided_slice %transpose3A {offsets = [112, 0], sizes = [16, 2048], strides = [1, 1]} : vector<128x2048xf32> to vector<16x2048xf32>
    %concatenate3A_49 = tpu.concatenate %slice3A_41, %slice3A_42, %slice3A_43, %slice3A_44, %slice3A_45, %slice3A_46, %slice3A_47, %slice3A_48 in 1 : vector<16x2048xf32>, vector<16x2048xf32>, vector<16x2048xf32>, vector<16x2048xf32>, vector<16x2048xf32>, vector<16x2048xf32>, vector<16x2048xf32>, vector<16x2048xf32> -> vector<16x16384xf32>
    %swap3A = arith.constant 0 : index
    %swap3A_50 = arith.constant 0 : index
    %swap3A_51 = vector.load %arg2[%swap3A, %swap3A_50] : memref<16x16384xf32, #tpu.memory_space<vmem>>, vector<16x16384xf32>
    tpu.vector_store %arg2[%swap3A, %swap3A_50], %concatenate3A_49 {strides = array<i32>} : memref<16x16384xf32, #tpu.memory_space<vmem>>, vector<16x16384xf32>,
    return
  }
}

</mosaic_0001>

<sc_bundles>
// kernel: kernel.5.cloned.1.call-start
scs
__scs_entry_jumppad:
0x0: {  	(pc) =	sbr.rel $0x88, $3  }
0x1: {  	(tag) =	ssettag $0x0;
	lr =	simm.s32 $0x1  }
0x2: {  	[smem:$0x3F9D] =	sst lr;
	_ =	strace $0xD0000000  }
0x3: {  	_ = 	snop  }
0x4: {  	_ = 	snop  }
0x5: {  	_ = 	snop  }
0x6: {  	_ = 	snop  }
0x7: {  	_ = 	snop  }
__scs_overlays_trampoline_lowered:
0x8: {  	[smem:$0x3FAC] =	sst s0  }
0x9: {  	[smem:$0x3FAD] =	sst s1  }
0xa: {  	[smem:$0x3FAE] =	sst s2  }
0xb: {  	[smem:$0x3FAF] =	sst s3  }
0xc: {  	[smem:$0x3FB0] =	sst s4  }
0xd: {  	[smem:$0x3FB1] =	sst s5  }
0xe: {  	[smem:$0x3FB2] =	sst s6  }
0xf: {  	[smem:$0x3FB3] =	sst s7  }
0x10: {  	[smem:$0x3FB4] =	sst s8  }
0x11: {  	[smem:$0x3FB5] =	sst s9;
	s0 =	simm.s32 @!p0 $0x0  }
0x12: {  	s1 =	sld [smem:$0x3F9B];
	s0 =	simm.s32 @p0 $0x1  }
0x13: {  	[smem:$0x3FB6] =	sst s0;
	s0 =	simm.s32 @!p1 $0x0  }
0x14: {  	s2 =	sld [smem:$0x3F9A];
	s0 =	simm.s32 @p1 $0x1  }
0x15: {  	[smem:$0x3FB7] =	sst s0;
	s0 =	simm.s32 @!p2 $0x0  }
0x16: {  	s3 =	sld [smem:$0x3FDB];
	s0 =	simm.s32 @p2 $0x1  }
0x17: {  	s4 =	simm.s32 $0x1BF5;
	[smem:$0x3FB9] =	sst s0  }
0x18: {  	s0 =	sld [smem:$0x3F9C];
	_ =	swait.ge [sflag:s4], $0x0  }
0x19: {  	s7 =	sld [smem:$0x3F9D]  }
0x1a: {  	s8 =	sadd.s32 $0xFFFFE003, lr  }
0x1b: {  	s9 =	sadd.s32 $0xFFFFFEF7, lr;
	s5 =	simm.s32 $0xFFFFFFFF;
	p2 =	slt.u32 s8, $0xFFFFF086  }
0x1c: {  	p1 =	slt.u32 s9, $0xF7A;
	s5 =	simm.s32 @!p2 $0x0  }
0x1d: {  	s5 =	simm.s32 @p1 $0x1;
	p0 =	seq.s32 s7, s2  }
0x1e: {  	s7 =	smul.u32 @!p0 $0xF7A, s2;
	p2 =	seq.s32 @!p0 s5, $0x0  }
0x1f: {  	s9 =	smul.u32 $0xF7A, s1;
	s8 =	simm.s32 @!p0 $0x1BF5;
	p2 =	por !p2, p0  }
0x20: {  	[sflag:s8] =	ssyncset.s32 @!p0 $0xFFFFF086;
	s6 =	sadd.s32 @!p0 s3, s7;
	s7 =	simm.s32 @!p0 $0x108  }
0x21: {  	s3 =	sadd.s32 s3, s9;
	s6 =	sadd.s32 @!p0 $0x88, s6;
	s7 =	simm.s32 @p2 $0x1082  }
0x22: {  	[simem:s7], [sflag:s8] =	dma.local @!p0 [hbm:s6], $0xF7A  }
0x23: {  	s9 =	sor.u32 $0xD0000000, s2;
	s6 =	simm.s32 $0x108;
	_ =	swait.ge @!p0 [sflag:s8], $0x0  }
0x24: {  	s3 =	sadd.s32 $0x88, s3;
	s6 =	simm.s32 @!p1 $0x1082;
	[sflag:s4] =	ssyncset.s32 $0xFFFFF086  }
0x25: {  	[simem:s6], [sflag:s4] =	dma.local [hbm:s3], $0xF7A  }
0x26: {  	[smem:$0x3F9D] =	sst s1;
	(tag) =	ssettag s2;
	_ =	strace s9  }
0x27: {  	s1 =	sld [smem:$0x3FAD]  }
0x28: {  	s2 =	sld [smem:$0x3FAE]  }
0x29: {  	s4 =	sld [smem:$0x3FB0]  }
0x2a: {  	p0 =	seq.s32 s5, $0x0;
	s5 =	sld [smem:$0x3FB1]  }
0x2b: {  	s6 =	sld [smem:$0x3FB2]  }
0x2c: {  	s7 =	sld [smem:$0x3FB3]  }
0x2d: {  	s3 =	simm.s32 $0x108;
	s8 =	sld [smem:$0x3FB4]  }
0x2e: {  	s3 =	simm.s32 @!p0 $0x1082;
	s9 =	sld [smem:$0x3FB5]  }
0x2f: {  	lr =	sadd.s32 s0, s3;
	s0 =	sld [smem:$0x3FAC]  }
0x30: {  	s3 =	sld [smem:$0x3FAF]  }
0x31: {  	[smem:$0x3FB8] =	sst s10  }
0x32: {  	s10 =	sld [smem:$0x3FB6];
	_ =	sdelay $0x3  }
0x33: {  	p0 =	seq.s32 s10, $0x1;
	s10 =	sld [smem:$0x3FB8];
	_ =	sdelay $0x3  }
0x34: {  	[smem:$0x3FB8] =	sst s10  }
0x35: {  	s10 =	sld [smem:$0x3FB7];
	_ =	sdelay $0x3  }
0x36: {  	p1 =	seq.s32 s10, $0x1;
	s10 =	sld [smem:$0x3FB8];
	_ =	sdelay $0x3  }
0x37: {  	[smem:$0x3FB8] =	sst s10  }
0x38: {  	s10 =	sld [smem:$0x3FB9]  }
0x39: {  	_ = 	snop;
	(pc) =	sbr.ind lr, $3  }
0x3a: {  	_ = 	snop  }
0x3b: {  	_ = 	snop  }
0x3c: {  	p2 =	seq.s32 s10, $0x1;
	s10 =	sld [smem:$0x3FB8]  }
0x3d: {  	_ =	shalt  }
0x3e: {  	_ =	shalt  }
0x3f: {  	_ =	shalt  }
0x40: {  	_ =	shalt  }
0x41: {  	_ =	shalt  }
0x42: {  	_ =	shalt  }
0x43: {  	_ =	shalt  }
0x44: {  	_ =	shalt  }
0x45: {  	_ =	shalt  }
0x46: {  	_ =	shalt  }
0x47: {  	_ =	shalt  }
0x48: {  	_ =	shalt  }
0x49: {  	_ =	shalt  }
0x4a: {  	_ =	shalt  }
0x4b: {  	_ =	shalt  }
0x4c: {  	_ =	shalt  }
0x4d: {  	_ =	shalt  }
0x4e: {  	_ =	shalt  }
0x4f: {  	_ =	shalt  }
0x50: {  	_ =	shalt  }
0x51: {  	_ =	shalt  }
0x52: {  	_ =	shalt  }
0x53: {  	_ =	shalt  }
0x54: {  	_ =	shalt  }
0x55: {  	_ =	shalt  }
0x56: {  	_ =	shalt  }
0x57: {  	_ =	shalt  }
0x58: {  	_ =	shalt  }
0x59: {  	_ =	shalt  }
0x5a: {  	_ =	shalt  }
0x5b: {  	_ =	shalt  }
0x5c: {  	_ =	shalt  }
0x5d: {  	_ =	shalt  }
0x5e: {  	_ =	shalt  }
0x5f: {  	_ =	shalt  }
0x60: {  	_ =	shalt  }
0x61: {  	_ =	shalt  }
0x62: {  	_ =	shalt  }
0x63: {  	_ =	shalt  }
0x64: {  	_ =	shalt  }
0x65: {  	_ =	shalt  }
0x66: {  	_ =	shalt  }
0x67: {  	_ =	shalt  }
0x68: {  	_ =	shalt  }
0x69: {  	_ =	shalt  }
0x6a: {  	_ =	shalt  }
0x6b: {  	_ =	shalt  }
0x6c: {  	_ =	shalt  }
0x6d: {  	_ =	shalt  }
0x6e: {  	_ =	shalt  }
0x6f: {  	_ =	shalt  }
0x70: {  	_ =	shalt  }
0x71: {  	_ =	shalt  }
0x72: {  	_ =	shalt  }
0x73: {  	_ =	shalt  }
0x74: {  	_ =	shalt  }
0x75: {  	_ =	shalt  }
0x76: {  	_ =	shalt  }
0x77: {  	_ =	shalt  }
0x78: {  	_ =	shalt  }
0x79: {  	_ =	shalt  }
0x7a: {  	_ =	shalt  }
0x7b: {  	_ =	shalt  }
0x7c: {  	_ =	shalt  }
0x7d: {  	_ =	shalt  }
0x7e: {  	_ =	shalt  }
0x7f: {  	_ =	shalt  }
0x80: {  	_ =	shalt  }
0x81: {  	_ =	shalt  }
0x82: {  	_ =	shalt  }
0x83: {  	_ =	shalt  }
0x84: {  	_ =	shalt  }
0x85: {  	_ =	shalt  }
0x86: {  	_ =	shalt  }
0x87: {  	_ =	shalt  }
.Lfunc_end0:
.L_simem_size_0:
called_computation_lowered:
.L_overlay_start_0:
0x88: {  	s2 =	sld [smem:$0x3FD9]  }
0x89: {  	s3 =	sld [smem:$0x3FFE];
	_ =	sdelay $0x1  }
0x8a: {  	s1 =	srdreg.scid  }
0x8b: {  	s0 =	sand.u32 $0x1, s1  }
0x8c: {  	s17 =	sshll.u32 s0, $0xA;
	s2 =	sadd.s32 s3, s2  }
0x8d: {  	s2 =	sadd.s32 s2, s17  }
0x8e: {  	[smem:$0x3FC4] =	sst s2  }
0x8f: {  	_ = 	snop  }
0x90: {  	s2 =	sld [smem:$0x3FC9]  }
0x91: {  	s18 =	sld [smem:$0x3FD0];
	(tm) =	ssettm $0x1  }
0x92: {  	s4 =	sld [smem:$0x3FFB];
	_ =	sdelay $0x3  }
0x93: {  	_ =	strace s4  }
0x94: {  	s4 =	sld [smem:$0x3FFC];
	_ =	sdelay $0x3  }
0x95: {  	_ =	strace s4  }
0x96: {  	s4 =	sld [smem:$0x3FFD];
	_ =	sdelay $0x3  }
0x97: {  	_ =	strace s4  }
0x98: {  	_ =	strace $0x8FFFFFFF  }
0x99: {  	s19 =	sld [smem:$0x3FDB];
	_ =	sdelay $0x1  }
0x9a: {  	s5 =	simm.s32 $_scs_section_size  }
0x9b: {  	s6 =	simm.s32 $_size__tile_overlayer_lowered;
	s7 =	simm.s32 $_tile_overlayer_lowered  }
0x9c: {  	s22 =	simm.s32 $0x1BFF;
	s21 =	sshll.u32 s7, $0x1;
	s4 =	sadd.s32 s5, s19  }
0x9d: {  	s8 =	simm.s32 $0x0;
	s20 =	sshll.u32 s6, $0x1;
	s6 =	sadd.s32 s21, s4  }
0x9e: {  	[timem:s8], [sflag:s22] =	dma.local [hbm:s6], s20  }
0x9f: {  	_ =	swait.ge [sflag:s22], s20  }
0xa0: {  	s5 =	ssub.s32 $0x0, s20;
	[sflag:s22] =	ssyncset.done $0x0  }
0xa1: {  	[sflag:s22] =	ssyncadd.s32 s5;
	_ =	sdelay $0x1  }
0xa2: {  	s23 =	simm.s32 $0x1B8B  }
0xa3: {  	_ =	swait.ge [sflag:s23], $0x1  }
0xa4: {  	[sflag:s23] =	ssyncset.done $0x0  }
0xa5: {  	s25 =	simm.s32 $0x1B8E;
	s24 =	sld [smem:$0x3FFE];
	[sflag:s23] =	ssyncadd.s32 $0xFFFFFFFF  }
0xa6: {  	s26 =	simm.s32 $execute0_lowered;
	[smem:$0x3FD2] =	sst s25  }
0xa7: {  	s6 =	sshll.u32 s26, $0x1;
	_ =	strace $0x80000046;
	[dreg:$0x1] =	wrdreg $0xFFFFFFFF  }
0xa8: {  	s28 =	simm.s32 $_size_execute0_lowered;
	s4 =	sadd.s32 s4, s6;
	[dreg:$0x0] =	wrdreg $0x0  }
0xa9: {  	s6 =	sshll.u32 s28, $0x1;
	[dreg:$0x2] =	wrdreg s4  }
0xaa: {  	[dreg:$0x3] =	wrdreg s6  }
0xab: {  	[dreg:$0x4] =	wrdreg $0xC0  }
0xac: {  	_ =	task [dreg:s8], $0x5FFFF  }
0xad: {  	[dreg:$0x1] =	wrdreg $0xFFFFFFFF  }
0xae: {  	[dreg:$0x0] =	wrdreg $0x60  }
0xaf: {  	[dreg:$0x2] =	wrdreg s2  }
0xb0: {  	[dreg:$0x3] =	wrdreg s24  }
0xb1: {  	[dreg:$0x4] =	wrdreg s18  }
0xb2: {  	[dreg:$0x5] =	wrdreg $0x9  }
0xb3: {  	_ =	task.clear_ibuf [dreg:s8], $0x6FFFF;
	_ =	strace $0x90000046  }
0xb4: {  	s29 =	simm.s32 $0x9;
	_ =	strace $0x80000048  }
0xb5: {  	_ =	swait.ge [sflag:s29], $0x1  }
0xb6: {  	[sflag:s29] =	ssyncadd.s32 $0xFFFFFFFF  }
0xb7: {  	_ =	strace $0x90000048  }
0xb8: {  	_ =	sfence  }
0xb9: {  	s30 =	sld [smem:$0x0];
	_ =	sdelay $0x2  }
0xba: {  	s31 =	sshll.u32 s1, $0xD;
	s1 =	sshrl.u32 s1, $0x2  }
0xbb: {  	s3 =	sand.u32 $0x4000, s31;
	s1 =	sadd.s32 s1, s30  }
0xbc: {  	s0 =	sor.u32 s3, s0;
	s1 =	sshll.u32 s1, $0x11  }
0xbd: {  	s0 =	sor.u32 s1, s0  }
0xbe: {  	s0 =	sadd.s32 $0x8F2B, s0  }
0xbf: {  	[sflag:s0] =	ssyncadd.remote.s32 $0x1  }
0xc0: {  	_ =	sfence.sel $0xFFFF  }
0xc1: {  	[dreg:$0x0] =	wrdreg $0xFFFFFFFF;
	(pc) =	sbr.abs _section_cstart, $3  }
0xc2: {  	[dreg:$0x1] =	wrdreg $0xFFFFFFFF  }
0xc3: {  	_ =	task.clear_ibuf [dreg:s8], $0x2FFFF;
	_ =	strace $0x9FFFFFFF  }
0xc4: {  	(tm) =	ssettm $0x7FFFFFFF  }
0xc5: {  	_ =	shalt  }
tec
execute0_lowered:
.L_overlay_start_1:
0x0: {  	(tag) =	ssettag $0x1  }
0x1: {  	v0 =	vimm.s32 $0xC0804000;
	vm8 =	vcmask $0xF00;
	vm7 =	vcmask $0x1310  }
0x2: {  	vm6 =	vcmask $0x1714;
	vm5 =	vcmask $0x1B18;
	v1 =	vimm.s32 $0xC1814101  }
0x3: {  	vm4 =	vcmask $0x1F1C;
	v2 =	vimm.s32 $0xC2824202;
	v0 =	vunpack.c.0.s8.s32 v0  }
0x4: {  	vm3 =	vcmask $0x2F20;
	vm2 =	vcmask $0x3330;
	vm0 =	vcmask $0x3734  }
0x5: {  	v3 =	vimm.s32 $0xC3834303;
	vm1 =	vcmask $0x3B38;
	v0 =	vand.u32 $0xFF, v0  }
0x6: {  	v4 =	vimm.s32 $0xC6864606;
	v5 =	vimm.s32 $0xC7874707;
	v0 =	vnsel vm8, $0x1C1, v0  }
0x7: {  	v6 =	vimm.s32 $0xCA8A4A0A;
	v7 =	vimm.s32 $0xCB8B4B0B;
	v0 =	vsel vm7, $0x100, v0  }
0x8: {  	v8 =	vimm.s32 $0xCE8E4E0E;
	v1 =	vunpack.c.0.s8.s32 v1;
	v0 =	vsel vm6, $0x140, v0  }
0x9: {  	v9 =	vimm.s32 $0xCF8F4F0F;
	v2 =	vunpack.c.0.s8.s32 v2;
	v0 =	vsel vm5, $0x180, v0  }
0xa: {  	v10 =	vimm.s32 $0xD2925212;
	v1 =	vand.u32 $0xFF, v1;
	v0 =	vsel vm4, $0x1C0, v0  }
0xb: {  	v11 =	vimm.s32 $0xD3935313;
	v0 =	vsel vm3, v1, v0;
	v1 =	vand.u32 $0xFF, v2  }
0xc: {  	v12 =	vimm.s32 $0xD6965616;
	v2 =	vimm.s32 $0xC4844404;
	v1 =	vnsel vm8, $0x1C3, v1  }
0xd: {  	v13 =	vimm.s32 $0xD7975717;
	v2 =	vunpack.c.0.s8.s32 v2;
	v1 =	vsel vm7, $0x102, v1  }
0xe: {  	v14 =	vimm.s32 $0xDA9A5A1A;
	v3 =	vunpack.c.0.s8.s32 v3;
	v1 =	vsel vm6, $0x142, v1  }
0xf: {  	v15 =	vimm.s32 $0xDB9B5B1B;
	v2 =	vand.u32 $0xFF, v2;
	v1 =	vsel vm5, $0x182, v1  }
0x10: {  	v3 =	vand.u32 $0xFF, v3;
	v2 =	vnsel vm8, $0x1C5, v2;
	v1 =	vsel vm4, $0x1C2, v1  }
0x11: {  	v2 =	vsel vm7, $0x104, v2;
	v1 =	vsel vm3, v3, v1;
	v3 =	vimm.s32 $0xC5854505  }
0x12: {  	v16 =	vimm.s32 $0xDE9E5E1E;
	v2 =	vsel vm6, $0x144, v2;
	v3 =	vunpack.c.0.s8.s32 v3  }
0x13: {  	v17 =	vimm.s32 $0xDF9F5F1F;
	v4 =	vunpack.c.0.s8.s32 v4;
	v2 =	vsel vm5, $0x184, v2  }
0x14: {  	v18 =	vimm.s32 $0xE2A26222;
	v2 =	vsel vm4, $0x1C4, v2;
	v3 =	vand.u32 $0xFF, v3  }
0x15: {  	v19 =	vimm.s32 $0xE3A36323;
	v2 =	vsel vm3, v3, v2;
	v3 =	vand.u32 $0xFF, v4  }
0x16: {  	v20 =	vimm.s32 $0xE6A66626;
	v4 =	vimm.s32 $0xC8884808;
	v3 =	vnsel vm8, $0x1C7, v3  }
0x17: {  	v21 =	vimm.s32 $0xE7A76727;
	v4 =	vunpack.c.0.s8.s32 v4;
	v3 =	vsel vm7, $0x106, v3  }
0x18: {  	v22 =	vimm.s32 $0xEAAA6A2A;
	v5 =	vunpack.c.0.s8.s32 v5;
	v3 =	vsel vm6, $0x146, v3  }
0x19: {  	v23 =	vimm.s32 $0xEBAB6B2B;
	v4 =	vand.u32 $0xFF, v4;
	v3 =	vsel vm5, $0x186, v3  }
0x1a: {  	v5 =	vand.u32 $0xFF, v5;
	v4 =	vnsel vm8, $0x1C9, v4;
	v3 =	vsel vm4, $0x1C6, v3  }
0x1b: {  	v4 =	vsel vm7, $0x108, v4;
	v3 =	vsel vm3, v5, v3;
	v5 =	vimm.s32 $0xC9894909  }
0x1c: {  	v24 =	vimm.s32 $0xEEAE6E2E;
	v4 =	vsel vm6, $0x148, v4;
	v5 =	vunpack.c.0.s8.s32 v5  }
0x1d: {  	v25 =	vimm.s32 $0xEFAF6F2F;
	v6 =	vunpack.c.0.s8.s32 v6;
	v4 =	vsel vm5, $0x188, v4  }
0x1e: {  	v26 =	vimm.s32 $0xF1B17131;
	v4 =	vsel vm4, $0x1C8, v4;
	v5 =	vand.u32 $0xFF, v5  }
0x1f: {  	v27 =	vimm.s32 $0xF4B47434;
	v4 =	vsel vm3, v5, v4;
	v5 =	vand.u32 $0xFF, v6  }
0x20: {  	v28 =	vimm.s32 $0xF6B67636;
	v6 =	vimm.s32 $0xCC8C4C0C;
	v5 =	vnsel vm8, $0x1CB, v5  }
0x21: {  	v29 =	vimm.s32 $0xF8B87838;
	v6 =	vunpack.c.0.s8.s32 v6;
	v5 =	vsel vm7, $0x10A, v5  }
0x22: {  	v30 =	vimm.s32 $0xF7B77737;
	v7 =	vunpack.c.0.s8.s32 v7;
	v5 =	vsel vm6, $0x14A, v5  }
0x23: {  	v31 =	vimm.s32 $0xFABA7A3A;
	v6 =	vand.u32 $0xFF, v6;
	v5 =	vsel vm5, $0x18A, v5  }
0x24: {  	v7 =	vand.u32 $0xFF, v7;
	v6 =	vnsel vm8, $0x1CD, v6;
	v5 =	vsel vm4, $0x1CA, v5  }
0x25: {  	v6 =	vsel vm7, $0x10C, v6;
	v5 =	vsel vm3, v7, v5;
	v7 =	vimm.s32 $0xCD8D4D0D  }
0x26: {  	v32 =	vimm.s32 $0xFDBD7D3D;
	v6 =	vsel vm6, $0x14C, v6;
	v7 =	vunpack.c.0.s8.s32 v7  }
0x27: {  	v63 =	vimm.s32 $0xFFBF7F3F;
	v8 =	vunpack.c.0.s8.s32 v8;
	v6 =	vsel vm5, $0x18C, v6  }
0x28: {  	v9 =	vunpack.c.0.s8.s32 v9;
	v6 =	vsel vm4, $0x1CC, v6;
	v7 =	vand.u32 $0xFF, v7  }
0x29: {  	v10 =	vunpack.c.0.s8.s32 v10;
	v6 =	vsel vm3, v7, v6;
	v7 =	vand.u32 $0xFF, v8  }
0x2a: {  	v11 =	vunpack.c.0.s8.s32 v11;
	v8 =	vimm.s32 $0xD0905010;
	v7 =	vnsel vm8, $0x1CF, v7  }
0x2b: {  	v12 =	vunpack.c.0.s8.s32 v12;
	v8 =	vunpack.c.0.s8.s32 v8;
	v7 =	vsel vm7, $0x10E, v7  }
0x2c: {  	v13 =	vunpack.c.0.s8.s32 v13;
	v14 =	vunpack.c.0.s8.s32 v14;
	v7 =	vsel vm6, $0x14E, v7  }
0x2d: {  	v15 =	vunpack.c.0.s8.s32 v15;
	v8 =	vand.u32 $0xFF, v8;
	v7 =	vsel vm5, $0x18E, v7  }
0x2e: {  	v9 =	vand.u32 $0xFF, v9;
	v8 =	vnsel vm8, $0x1D1, v8;
	v7 =	vsel vm4, $0x1CE, v7  }
0x2f: {  	v8 =	vsel vm7, $0x110, v8;
	v7 =	vsel vm3, v9, v7;
	v9 =	vimm.s32 $0xD1915111  }
0x30: {  	v16 =	vunpack.c.0.s8.s32 v16;
	v8 =	vsel vm6, $0x150, v8;
	v9 =	vunpack.c.0.s8.s32 v9  }
0x31: {  	v17 =	vunpack.c.0.s8.s32 v17;
	v18 =	vunpack.c.0.s8.s32 v18;
	v8 =	vsel vm5, $0x190, v8  }
0x32: {  	v19 =	vunpack.c.0.s8.s32 v19;
	v8 =	vsel vm4, $0x1D0, v8;
	v9 =	vand.u32 $0xFF, v9  }
0x33: {  	v20 =	vunpack.c.0.s8.s32 v20;
	v8 =	vsel vm3, v9, v8;
	v9 =	vand.u32 $0xFF, v10  }
0x34: {  	v21 =	vunpack.c.0.s8.s32 v21;
	v10 =	vimm.s32 $0xD4945414;
	v9 =	vnsel vm8, $0x1D3, v9  }
0x35: {  	v22 =	vunpack.c.0.s8.s32 v22;
	v10 =	vunpack.c.0.s8.s32 v10;
	v9 =	vsel vm7, $0x112, v9  }
0x36: {  	v23 =	vunpack.c.0.s8.s32 v23;
	v24 =	vunpack.c.0.s8.s32 v24;
	v9 =	vsel vm6, $0x152, v9  }
0x37: {  	v25 =	vunpack.c.0.s8.s32 v25;
	v10 =	vand.u32 $0xFF, v10;
	v9 =	vsel vm5, $0x192, v9  }
0x38: {  	v11 =	vand.u32 $0xFF, v11;
	v10 =	vnsel vm8, $0x1D5, v10;
	v9 =	vsel vm4, $0x1D2, v9  }
0x39: {  	v10 =	vsel vm7, $0x114, v10;
	v9 =	vsel vm3, v11, v9;
	v11 =	vimm.s32 $0xD5955515  }
0x3a: {  	v26 =	vunpack.c.0.s8.s32 v26;
	v10 =	vsel vm6, $0x154, v10;
	v11 =	vunpack.c.0.s8.s32 v11  }
0x3b: {  	v27 =	vunpack.c.0.s8.s32 v27;
	v28 =	vunpack.c.0.s8.s32 v28;
	v10 =	vsel vm5, $0x194, v10  }
0x3c: {  	v29 =	vunpack.c.0.s8.s32 v29;
	v10 =	vsel vm4, $0x1D4, v10;
	v11 =	vand.u32 $0xFF, v11  }
0x3d: {  	v30 =	vunpack.c.0.s8.s32 v30;
	v10 =	vsel vm3, v11, v10;
	v11 =	vand.u32 $0xFF, v12  }
0x3e: {  	v31 =	vunpack.c.0.s8.s32 v31;
	v12 =	vimm.s32 $0xD8985818;
	v11 =	vnsel vm8, $0x1D7, v11  }
0x3f: {  	v32 =	vunpack.c.0.s8.s32 v32;
	v12 =	vunpack.c.0.s8.s32 v12;
	v11 =	vsel vm7, $0x116, v11  }
0x40: {  	v13 =	vand.u32 $0xFF, v13;
	v15 =	vand.u32 $0xFF, v15;
	v11 =	vsel vm6, $0x156, v11  }
0x41: {  	v17 =	vand.u32 $0xFF, v17;
	v12 =	vand.u32 $0xFF, v12;
	v11 =	vsel vm5, $0x196, v11  }
0x42: {  	v19 =	vand.u32 $0xFF, v19;
	v12 =	vnsel vm8, $0x1D9, v12;
	v11 =	vsel vm4, $0x1D6, v11  }
0x43: {  	v12 =	vsel vm7, $0x118, v12;
	v11 =	vsel vm3, v13, v11;
	v13 =	vimm.s32 $0xD9995919  }
0x44: {  	v21 =	vand.u32 $0xFF, v21;
	v12 =	vsel vm6, $0x158, v12;
	v13 =	vunpack.c.0.s8.s32 v13  }
0x45: {  	v23 =	vand.u32 $0xFF, v23;
	v25 =	vand.u32 $0xFF, v25;
	v12 =	vsel vm5, $0x198, v12  }
0x46: {  	v26 =	vand.u32 $0xFF, v26;
	v12 =	vsel vm4, $0x1D8, v12;
	v13 =	vand.u32 $0xFF, v13  }
0x47: {  	v27 =	vand.u32 $0xFF, v27;
	v12 =	vsel vm3, v13, v12;
	v13 =	vand.u32 $0xFF, v14  }
0x48: {  	v29 =	vand.u32 $0xFF, v29;
	v14 =	vimm.s32 $0xDC9C5C1C;
	v13 =	vnsel vm8, $0x1DB, v13  }
0x49: {  	v30 =	vand.u32 $0xFF, v30;
	v14 =	vunpack.c.0.s8.s32 v14;
	v13 =	vsel vm7, $0x11A, v13  }
0x4a: {  	v32 =	vand.u32 $0xFF, v32;
	v27 =	vnsel vm8, $0x1F5, v27;
	v13 =	vsel vm6, $0x15A, v13  }
0x4b: {  	v29 =	vnsel vm8, $0x1F9, v29;
	v14 =	vand.u32 $0xFF, v14;
	v13 =	vsel vm5, $0x19A, v13  }
0x4c: {  	v27 =	vsel vm7, $0x134, v27;
	v14 =	vnsel vm8, $0x1DD, v14;
	v13 =	vsel vm4, $0x1DA, v13  }
0x4d: {  	v14 =	vsel vm7, $0x11C, v14;
	v13 =	vsel vm3, v15, v13;
	v15 =	vimm.s32 $0xDD9D5D1D  }
0x4e: {  	v0 =	vsel vm2, $0x101, v0;
	v14 =	vsel vm6, $0x15C, v14;
	v15 =	vunpack.c.0.s8.s32 v15  }
0x4f: {  	v27 =	vsel vm6, $0x174, v27;
	v0 =	vsel vm0, $0x141, v0;
	v14 =	vsel vm5, $0x19C, v14  }
0x50: {  	v0 =	vsel vm1, $0x181, v0;
	v14 =	vsel vm4, $0x1DC, v14;
	v15 =	vand.u32 $0xFF, v15  }
0x51: {  	v1 =	vsel vm2, $0x103, v1;
	v14 =	vsel vm3, v15, v14;
	v15 =	vand.u32 $0xFF, v16  }
0x52: {  	v1 =	vsel vm0, $0x143, v1;
	v16 =	vimm.s32 $0xE0A06020;
	v15 =	vnsel vm8, $0x1DF, v15  }
0x53: {  	v2 =	vsel vm2, $0x105, v2;
	v16 =	vunpack.c.0.s8.s32 v16;
	v15 =	vsel vm7, $0x11E, v15  }
0x54: {  	v1 =	vsel vm1, $0x183, v1;
	v2 =	vsel vm0, $0x145, v2;
	v15 =	vsel vm6, $0x15E, v15  }
0x55: {  	v2 =	vsel vm1, $0x185, v2;
	v16 =	vand.u32 $0xFF, v16;
	v15 =	vsel vm5, $0x19E, v15  }
0x56: {  	v3 =	vsel vm2, $0x107, v3;
	v16 =	vnsel vm8, $0x1E1, v16;
	v15 =	vsel vm4, $0x1DE, v15  }
0x57: {  	v16 =	vsel vm7, $0x120, v16;
	v15 =	vsel vm3, v17, v15;
	v17 =	vimm.s32 $0xE1A16121  }
0x58: {  	v3 =	vsel vm0, $0x147, v3;
	v16 =	vsel vm6, $0x160, v16;
	v17 =	vunpack.c.0.s8.s32 v17  }
0x59: {  	v3 =	vsel vm1, $0x187, v3;
	v4 =	vsel vm2, $0x109, v4;
	v16 =	vsel vm5, $0x1A0, v16  }
0x5a: {  	v4 =	vsel vm0, $0x149, v4;
	v16 =	vsel vm4, $0x1E0, v16;
	v17 =	vand.u32 $0xFF, v17  }
0x5b: {  	v4 =	vsel vm1, $0x189, v4;
	v16 =	vsel vm3, v17, v16;
	v17 =	vand.u32 $0xFF, v18  }
0x5c: {  	v5 =	vsel vm2, $0x10B, v5;
	v18 =	vimm.s32 $0xE4A46424;
	v17 =	vnsel vm8, $0x1E3, v17  }
0x5d: {  	v5 =	vsel vm0, $0x14B, v5;
	v18 =	vunpack.c.0.s8.s32 v18;
	v17 =	vsel vm7, $0x122, v17  }
0x5e: {  	v5 =	vsel vm1, $0x18B, v5;
	v6 =	vsel vm2, $0x10D, v6;
	v17 =	vsel vm6, $0x162, v17  }
0x5f: {  	v6 =	vsel vm0, $0x14D, v6;
	v18 =	vand.u32 $0xFF, v18;
	v17 =	vsel vm5, $0x1A2, v17  }
0x60: {  	v7 =	vsel vm2, $0x10F, v7;
	v18 =	vnsel vm8, $0x1E5, v18;
	v17 =	vsel vm4, $0x1E2, v17  }
0x61: {  	v18 =	vsel vm7, $0x124, v18;
	v17 =	vsel vm3, v19, v17;
	v19 =	vimm.s32 $0xE5A56525  }
0x62: {  	v7 =	vsel vm0, $0x14F, v7;
	v18 =	vsel vm6, $0x164, v18;
	v19 =	vunpack.c.0.s8.s32 v19  }
0x63: {  	v6 =	vsel vm1, $0x18D, v6;
	v7 =	vsel vm1, $0x18F, v7;
	v18 =	vsel vm5, $0x1A4, v18  }
0x64: {  	v8 =	vsel vm2, $0x111, v8;
	v18 =	vsel vm4, $0x1E4, v18;
	v19 =	vand.u32 $0xFF, v19  }
0x65: {  	v8 =	vsel vm0, $0x151, v8;
	v18 =	vsel vm3, v19, v18;
	v19 =	vand.u32 $0xFF, v20  }
0x66: {  	v9 =	vsel vm2, $0x113, v9;
	v20 =	vimm.s32 $0xE8A86828;
	v19 =	vnsel vm8, $0x1E7, v19  }
0x67: {  	v9 =	vsel vm0, $0x153, v9;
	v20 =	vunpack.c.0.s8.s32 v20;
	v19 =	vsel vm7, $0x126, v19  }
0x68: {  	v8 =	vsel vm1, $0x191, v8;
	v9 =	vsel vm1, $0x193, v9;
	v19 =	vsel vm6, $0x166, v19  }
0x69: {  	v10 =	vsel vm2, $0x115, v10;
	v20 =	vand.u32 $0xFF, v20;
	v19 =	vsel vm5, $0x1A6, v19  }
0x6a: {  	v10 =	vsel vm0, $0x155, v10;
	v20 =	vnsel vm8, $0x1E9, v20;
	v19 =	vsel vm4, $0x1E6, v19  }
0x6b: {  	v20 =	vsel vm7, $0x128, v20;
	v19 =	vsel vm3, v21, v19;
	v21 =	vimm.s32 $0xE9A96929  }
0x6c: {  	v11 =	vsel vm2, $0x117, v11;
	v20 =	vsel vm6, $0x168, v20;
	v21 =	vunpack.c.0.s8.s32 v21  }
0x6d: {  	v10 =	vsel vm1, $0x195, v10;
	v11 =	vsel vm0, $0x157, v11;
	v20 =	vsel vm5, $0x1A8, v20  }
0x6e: {  	v11 =	vsel vm1, $0x197, v11;
	v20 =	vsel vm4, $0x1E8, v20;
	v21 =	vand.u32 $0xFF, v21  }
0x6f: {  	v12 =	vsel vm2, $0x119, v12;
	v20 =	vsel vm3, v21, v20;
	v21 =	vand.u32 $0xFF, v22  }
0x70: {  	v12 =	vsel vm0, $0x159, v12;
	v22 =	vimm.s32 $0xECAC6C2C;
	v21 =	vnsel vm8, $0x1EB, v21  }
0x71: {  	v13 =	vsel vm2, $0x11B, v13;
	v22 =	vunpack.c.0.s8.s32 v22;
	v21 =	vsel vm7, $0x12A, v21  }
0x72: {  	v12 =	vsel vm1, $0x199, v12;
	v13 =	vsel vm0, $0x15B, v13;
	v21 =	vsel vm6, $0x16A, v21  }
0x73: {  	v13 =	vsel vm1, $0x19B, v13;
	v22 =	vand.u32 $0xFF, v22;
	v21 =	vsel vm5, $0x1AA, v21  }
0x74: {  	v14 =	vsel vm2, $0x11D, v14;
	v22 =	vnsel vm8, $0x1ED, v22;
	v21 =	vsel vm4, $0x1EA, v21  }
0x75: {  	v22 =	vsel vm7, $0x12C, v22;
	v21 =	vsel vm3, v23, v21;
	v23 =	vimm.s32 $0xEDAD6D2D  }
0x76: {  	v14 =	vsel vm0, $0x15D, v14;
	v22 =	vsel vm6, $0x16C, v22;
	v23 =	vunpack.c.0.s8.s32 v23  }
0x77: {  	v14 =	vsel vm1, $0x19D, v14;
	v15 =	vsel vm2, $0x11F, v15;
	v22 =	vsel vm5, $0x1AC, v22  }
0x78: {  	v15 =	vsel vm0, $0x15F, v15;
	v22 =	vsel vm4, $0x1EC, v22;
	v23 =	vand.u32 $0xFF, v23  }
0x79: {  	v16 =	vsel vm2, $0x121, v16;
	v22 =	vsel vm3, v23, v22;
	v23 =	vand.u32 $0xFF, v24  }
0x7a: {  	v15 =	vsel vm1, $0x19F, v15;
	v16 =	vsel vm0, $0x161, v16;
	v23 =	vnsel vm8, $0x1EF, v23  }
0x7b: {  	v17 =	vsel vm2, $0x123, v17;
	v24 =	vimm.s32 $0xF0B07030;
	v23 =	vsel vm7, $0x12E, v23  }
0x7c: {  	v17 =	vsel vm0, $0x163, v17;
	v24 =	vunpack.c.0.s8.s32 v24;
	v23 =	vsel vm6, $0x16E, v23  }
0x7d: {  	v16 =	vsel vm1, $0x1A1, v16;
	v17 =	vsel vm1, $0x1A3, v17;
	v23 =	vsel vm5, $0x1AE, v23  }
0x7e: {  	v18 =	vsel vm2, $0x125, v18;
	v24 =	vand.u32 $0xFF, v24;
	v23 =	vsel vm4, $0x1EE, v23  }
0x7f: {  	v24 =	vnsel vm8, $0x1F1, v24;
	v23 =	vsel vm3, v25, v23;
	v25 =	vimm.s32 $0xF2B27232  }
0x80: {  	v18 =	vsel vm0, $0x165, v18;
	v24 =	vsel vm7, $0x130, v24;
	v25 =	vunpack.c.0.s8.s32 v25  }
0x81: {  	v18 =	vsel vm1, $0x1A5, v18;
	v19 =	vsel vm2, $0x127, v19;
	v24 =	vsel vm6, $0x170, v24  }
0x82: {  	v19 =	vsel vm0, $0x167, v19;
	v24 =	vsel vm5, $0x1B0, v24;
	v25 =	vand.u32 $0xFF, v25  }
0x83: {  	v19 =	vsel vm1, $0x1A7, v19;
	v24 =	vsel vm4, $0x1F0, v24;
	v25 =	vnsel vm8, $0x1F3, v25  }
0x84: {  	v24 =	vsel vm3, v26, v24;
	v26 =	vimm.s32 $0xF3B37333;
	v25 =	vsel vm7, $0x132, v25  }
0x85: {  	v20 =	vsel vm2, $0x129, v20;
	v26 =	vunpack.c.0.s8.s32 v26;
	v25 =	vsel vm6, $0x172, v25  }
0x86: {  	v20 =	vsel vm0, $0x169, v20;
	v21 =	vsel vm2, $0x12B, v21;
	v25 =	vsel vm5, $0x1B2, v25  }
0x87: {  	v21 =	vsel vm0, $0x16B, v21;
	v26 =	vand.u32 $0xFF, v26;
	v25 =	vsel vm4, $0x1F2, v25  }
0x88: {  	v20 =	vsel vm1, $0x1A9, v20;
	v21 =	vsel vm1, $0x1AB, v21;
	v25 =	vsel vm3, v26, v25  }
0x89: {  	v26 =	vsel vm5, $0x1B4, v27;
	v27 =	vand.u32 $0xFF, v28;
	v28 =	vimm.s32 $0xF5B57535  }
0x8a: {  	v22 =	vsel vm2, $0x12D, v22;
	v27 =	vnsel vm8, $0x1F7, v27;
	v28 =	vunpack.c.0.s8.s32 v28  }
0x8b: {  	v22 =	vsel vm0, $0x16D, v22;
	v23 =	vsel vm2, $0x12F, v23;
	v27 =	vsel vm7, $0x136, v27  }
0x8c: {  	v26 =	vsel vm4, $0x1F4, v26;
	v27 =	vsel vm6, $0x176, v27;
	v28 =	vand.u32 $0xFF, v28  }
0x8d: {  	v23 =	vsel vm0, $0x16F, v23;
	v27 =	vsel vm5, $0x1B6, v27;
	v26 =	vsel vm3, v28, v26  }
0x8e: {  	v28 =	vsel vm7, $0x138, v29;
	v29 =	vimm.s32 $0xF9B97939;
	v27 =	vsel vm4, $0x1F6, v27  }
0x8f: {  	v28 =	vsel vm6, $0x178, v28;
	v27 =	vsel vm3, v30, v27;
	v30 =	vand.u32 $0xFF, v31  }
0x90: {  	s0 =	rddreg [dreg:$0x0];
	v29 =	vunpack.c.0.s8.s32 v29;
	v28 =	vsel vm5, $0x1B8, v28;
	v30 =	vnsel vm8, $0x1FB, v30  }
0x91: {  	s4 =	rddreg [dreg:$0x1];
	v31 =	vimm.s32 $0xFBBB7B3B;
	v28 =	vsel vm4, $0x1F8, v28;
	v30 =	vsel vm7, $0x13A, v30  }
0x92: {  	s2 =	rddreg [dreg:$0x2];
	v29 =	vand.u32 $0xFF, v29;
	v31 =	vunpack.c.0.s8.s32 v31;
	v30 =	vsel vm6, $0x17A, v30  }
0x93: {  	s1 =	simm.s32 $0x0;
	s3 =	srdreg.scid;
	s6 =	stileid.u32;
	v24 =	vsel vm2, $0x131, v24;
	v28 =	vsel vm3, v29, v28;
	v29 =	vsel vm5, $0x1BA, v30  }
0x94: {  	s28 =	simm.s32 $0x6;
	s29 =	simm.s32 $0x310;
	s30 =	simm.s32 $0x8600;
	v30 =	vand.u32 $0xFF, v31;
	v31 =	vimm.s32 $0xFCBC7C3C;
	v29 =	vsel vm4, $0x1FA, v29  }
0x95: {  	s16 =	simm.s32 $0xE800;
	s18 =	simm.s32 $0x11900;
	s19 =	simm.s32 $0x2;
	v24 =	vsel vm0, $0x171, v24;
	v29 =	vsel vm3, v30, v29;
	v30 =	vunpack.c.0.s8.s32 v31  }
0x96: {  	s20 =	simm.s32 $0x3;
	s5 =	sand.u32 $0x1, s3;
	s6 =	sshll.u32 s6, $0x1;
	v22 =	vsel vm1, $0x1AD, v22;
	v23 =	vsel vm1, $0x1AF, v23;
	v24 =	vsel vm1, $0x1B1, v24  }
0x97: {  	s31 =	simm.s32 $0x0;
	[smem:$0x7FF] =	sst s1;
	s6 =	sor.u32 s5, s6;
	v25 =	vsel vm2, $0x133, v25;
	v31 =	vimm.s32 $0xFEBE7E3E;
	v30 =	vand.u32 $0xFF, v30  }
0x98: {  	s3 =	sadd.s32 $0xC00, s4;
	s7 =	sshll.u32 s6, $0x1;
	s8 =	sshll.u32 s6, $0x3;
	v25 =	vsel vm0, $0x173, v25;
	v31 =	vunpack.c.0.s8.s32 v31;
	v30 =	vnsel vm8, $0x1FD, v30  }
0x99: {  	s5 =	ssub.s32 $0x2, s5;
	s7 =	sadd.s32 s7, s4;
	s4 =	sadd.s32 s0, s8;
	v25 =	vsel vm1, $0x1B3, v25;
	v26 =	vsel vm2, $0x135, v26;
	v30 =	vsel vm7, $0x13C, v30  }
0x9a: {  	_ =	strace $0x80000047;
	s9 =	sshrl.u32 s5, $0x1;
	s8 =	sadd.s32 $0x100, s4;
	v26 =	vsel vm0, $0x175, v26;
	v31 =	vand.u32 $0xFF, v31;
	v30 =	vsel vm6, $0x17C, v30  }
0x9b: {  	s21 =	smul.u32 $0x6200, s6;
	s22 =	sadd.s32 $0x200, s4;
	[dreg:$0x4] =	wrdreg s8;
	v26 =	vsel vm1, $0x1B5, v26;
	v31 =	vnsel vm8, $0x1FF, v31;
	v30 =	vsel vm5, $0x1BC, v30  }
0x9c: {  	s6 =	sshll.u32 s6, $0xA;
	s23 =	sadd.s32 $0x300, s4;
	[dreg:$0x5] =	wrdreg s22;
	v27 =	vsel vm2, $0x137, v27;
	v31 =	vsel vm7, $0x13E, v31;
	v30 =	vsel vm4, $0x1FC, v30  }
0x9d: {  	s5 =	ssub.s32 s5, s9;
	s24 =	sadd.s32 $0x400, s4;
	[dreg:$0x6] =	wrdreg s23;
	v31 =	vsel vm6, $0x17E, v31;
	v30 =	vsel vm3, v32, v30;
	v32 =	vunpack.c.0.s8.s32 v63  }
0x9e: {  	s13 =	sadd.s32 s2, s6;
	s25 =	sadd.s32 $0x500, s4;
	[dreg:$0x7] =	wrdreg s24;
	v27 =	vsel vm0, $0x177, v27;
	v28 =	vsel vm2, $0x139, v28;
	v31 =	vsel vm5, $0x1BE, v31  }
0x9f: {  	s26 =	sadd.s32 $0x600, s4;
	s11 =	sadd.s32 $0x700, s4;
	[dreg:$0x8] =	wrdreg s25;
	v28 =	vsel vm0, $0x179, v28;
	v31 =	vsel vm4, $0x1FE, v31;
	v32 =	vand.u32 $0xFF, v32  }
0xa0: {  	s14 =	sadd.s32 $0x200C00, s7;
	s15 =	smax.u32 s5, $0x1;
	[dreg:$0x9] =	wrdreg s26;
	v27 =	vsel vm1, $0x1B7, v27;
	v28 =	vsel vm1, $0x1B9, v28;
	v31 =	vsel vm3, v32, v31  }
0xa1: {  	s8 =	sshrl.u32 s21, $0x3;
	s23 =	simm.s32 $0x1;
	s25 =	simm.s32 $0x400;
	v29 =	vsel vm2, $0x13B, v29;
	v30 =	vsel vm2, $0x13D, v30;
	v31 =	vsel vm2, $0x13F, v31  }
0xa2: {  	s26 =	simm.s32 $0x2400;
	s21 =	simm.s32 $0x4;
	s0 =	sadd.s32 s0, s8;
	v29 =	vsel vm0, $0x17B, v29;
	v30 =	vsel vm0, $0x17D, v30;
	v31 =	vsel vm0, $0x17F, v31  }
0xa3: {  	s22 =	simm.s32 $0x5;
	s12 =	sadd.s32 $0x800, s0;
	s0 =	simm.s32 $0xB700;
	v29 =	vsel vm1, $0x1BB, v29;
	v30 =	vsel vm1, $0x1BD, v30;
	v31 =	vsel vm1, $0x1BF, v31  }
.LBB2_1:
0xa4: {  	[tilespmem:s1], [sflag:$0x1] =	stream.linear.gather [hbm4b:s4+s1], $0x40, $0x38;
	[tilespmem:$0x14A10] =	vst v63  }
0xa5: {  	s2 =	rddreg [dreg:$0x4];
	s5 =	simm.s32 $0x40  }
0xa6: {  	[tilespmem:s5], [sflag:$0x1] =	stream.linear.gather [hbm4b:s2+s1], $0x40, $0x38;
	[tilespmem:$0x14A10] =	vst v63  }
0xa7: {  	s9 =	rddreg [dreg:$0x5];
	s10 =	simm.s32 $0x80  }
0xa8: {  	[tilespmem:s10], [sflag:$0x1] =	stream.linear.gather [hbm4b:s9+s1], $0x40, $0x38;
	[tilespmem:$0x14A10] =	vst v63  }
0xa9: {  	s17 =	rddreg [dreg:$0x6];
	s24 =	simm.s32 $0xC0  }
0xaa: {  	[tilespmem:s24], [sflag:$0x1] =	stream.linear.gather [hbm4b:s17+s1], $0x40, $0x38;
	[tilespmem:$0x14A10] =	vst v63  }
0xab: {  	s6 =	rddreg [dreg:$0x7];
	s7 =	simm.s32 $0x100  }
0xac: {  	[tilespmem:s7], [sflag:$0x1] =	stream.linear.gather [hbm4b:s6+s1], $0x40, $0x38;
	[tilespmem:$0x14A10] =	vst v63  }
0xad: {  	s8 =	rddreg [dreg:$0x8];
	s9 =	simm.s32 $0x140  }
0xae: {  	[tilespmem:s9], [sflag:$0x1] =	stream.linear.gather [hbm4b:s8+s1], $0x40, $0x38;
	[tilespmem:$0x14A10] =	vst v63  }
0xaf: {  	s10 =	rddreg [dreg:$0x9];
	s17 =	simm.s32 $0x180  }
0xb0: {  	[tilespmem:s17], [sflag:$0x1] =	stream.linear.gather [hbm4b:s10+s1], $0x40, $0x38;
	[tilespmem:$0x14A10] =	vst v63  }
0xb1: {  	s24 =	simm.s32 $0x1C0  }
0xb2: {  	[tilespmem:s24], [sflag:$0x1] =	stream.linear.gather [hbm4b:s11+s1], $0x40, $0x38;
	[tilespmem:$0x14A10] =	vst v63  }
0xb3: {  	_ =	swait.ge [sflag:s23], $0x40  }
0xb4: {  	[sflag:s23] =	ssyncset.done $0x0  }
0xb5: {  	[sflag:s23] =	ssyncadd.s32 $0xFFFFFFC0  }
0xb6: {  	_ =	swait.ge [sflag:s23], $0x40  }
0xb7: {  	[sflag:s23] =	ssyncset.done $0x0  }
0xb8: {  	[sflag:s23] =	ssyncadd.s32 $0xFFFFFFC0  }
0xb9: {  	_ =	swait.ge [sflag:s23], $0x40  }
0xba: {  	[sflag:s23] =	ssyncset.done $0x0  }
0xbb: {  	[sflag:s23] =	ssyncadd.s32 $0xFFFFFFC0  }
0xbc: {  	_ =	swait.ge [sflag:s23], $0x40  }
0xbd: {  	[sflag:s23] =	ssyncset.done $0x0  }
0xbe: {  	[sflag:s23] =	ssyncadd.s32 $0xFFFFFFC0  }
0xbf: {  	_ =	swait.ge [sflag:s23], $0x40  }
0xc0: {  	[sflag:s23] =	ssyncset.done $0x0  }
0xc1: {  	[sflag:s23] =	ssyncadd.s32 $0xFFFFFFC0  }
0xc2: {  	_ =	swait.ge [sflag:s23], $0x40  }
0xc3: {  	[sflag:s23] =	ssyncset.done $0x0  }
0xc4: {  	[sflag:s23] =	ssyncadd.s32 $0xFFFFFFC0  }
0xc5: {  	_ =	swait.ge [sflag:s23], $0x40  }
0xc6: {  	[sflag:s23] =	ssyncset.done $0x0  }
0xc7: {  	[sflag:s23] =	ssyncadd.s32 $0xFFFFFFC0  }
0xc8: {  	_ =	swait.ge [sflag:s23], $0x40  }
0xc9: {  	[sflag:s23] =	ssyncset.done $0x0  }
0xca: {  	[sflag:s23] =	ssyncadd.s32 $0xFFFFFFC0  }
0xcb: {  	v32 =	vld.idx.msk [tilespmem:v0+s1+$0x0], $0xffff;
	_ =	sdelay $0x4  }
0xcc: {  	[tilespmem:$0x200] =	vst v32  }
0xcd: {  	v32 =	vld.idx.msk [tilespmem:v1+s1+$0x0], $0xffff;
	_ =	sdelay $0x4  }
0xce: {  	[tilespmem:$0x210] =	vst v32  }
0xcf: {  	v32 =	vld.idx.msk [tilespmem:v2+s1+$0x0], $0xffff;
	_ =	sdelay $0x4  }
0xd0: {  	[tilespmem:$0x220] =	vst v32  }
0xd1: {  	v32 =	vld.idx.msk [tilespmem:v3+s1+$0x0], $0xffff;
	_ =	sdelay $0x4  }
0xd2: {  	[tilespmem:$0x230] =	vst v32  }
0xd3: {  	v32 =	vld.idx.msk [tilespmem:v4+s1+$0x0], $0xffff;
	_ =	sdelay $0x4  }
0xd4: {  	[tilespmem:$0x240] =	vst v32  }
0xd5: {  	v32 =	vld.idx.msk [tilespmem:v5+s1+$0x0], $0xffff;
	_ =	sdelay $0x4  }
0xd6: {  	[tilespmem:$0x250] =	vst v32  }
0xd7: {  	v32 =	vld.idx.msk [tilespmem:v6+s1+$0x0], $0xffff;
	_ =	sdelay $0x4  }
0xd8: {  	[tilespmem:$0x260] =	vst v32  }
0xd9: {  	v32 =	vld.idx.msk [tilespmem:v7+s1+$0x0], $0xffff;
	_ =	sdelay $0x4  }
0xda: {  	[tilespmem:$0x270] =	vst v32  }
0xdb: {  	v32 =	vld.idx.msk [tilespmem:v8+s1+$0x0], $0xffff;
	_ =	sdelay $0x4  }
0xdc: {  	[tilespmem:$0x280] =	vst v32  }
0xdd: {  	v32 =	vld.idx.msk [tilespmem:v9+s1+$0x0], $0xffff;
	_ =	sdelay $0x4  }
0xde: {  	[tilespmem:$0x290] =	vst v32  }
0xdf: {  	v32 =	vld.idx.msk [tilespmem:v10+s1+$0x0], $0xffff;
	_ =	sdelay $0x4  }
0xe0: {  	[tilespmem:$0x2A0] =	vst v32  }
0xe1: {  	v32 =	vld.idx.msk [tilespmem:v11+s1+$0x0], $0xffff;
	_ =	sdelay $0x4  }
0xe2: {  	[tilespmem:$0x2B0] =	vst v32  }
0xe3: {  	v32 =	vld.idx.msk [tilespmem:v12+s1+$0x0], $0xffff;
	_ =	sdelay $0x4  }
0xe4: {  	[tilespmem:$0x2C0] =	vst v32  }
0xe5: {  	v32 =	vld.idx.msk [tilespmem:v13+s1+$0x0], $0xffff;
	_ =	sdelay $0x4  }
0xe6: {  	[tilespmem:$0x2D0] =	vst v32  }
0xe7: {  	v32 =	vld.idx.msk [tilespmem:v14+s1+$0x0], $0xffff;
	_ =	sdelay $0x4  }
0xe8: {  	[tilespmem:$0x2E0] =	vst v32  }
0xe9: {  	v32 =	vld.idx.msk [tilespmem:v15+s1+$0x0], $0xffff;
	_ =	sdelay $0x4  }
0xea: {  	[tilespmem:$0x2F0] =	vst v32  }
0xeb: {  	v32 =	vld.idx.msk [tilespmem:v16+s1+$0x0], $0xffff;
	_ =	sdelay $0x4  }
0xec: {  	[tilespmem:$0x300] =	vst v32  }
0xed: {  	v32 =	vld.idx.msk [tilespmem:v17+s1+$0x0], $0xffff;
	_ =	sdelay $0x4  }
0xee: {  	[tilespmem:$0x310] =	vst v32  }
0xef: {  	v32 =	vld.idx.msk [tilespmem:v18+s1+$0x0], $0xffff;
	_ =	sdelay $0x4  }
0xf0: {  	[tilespmem:$0x320] =	vst v32  }
0xf1: {  	v32 =	vld.idx.msk [tilespmem:v19+s1+$0x0], $0xffff;
	_ =	sdelay $0x4  }
0xf2: {  	[tilespmem:$0x330] =	vst v32  }
0xf3: {  	v32 =	vld.idx.msk [tilespmem:v20+s1+$0x0], $0xffff;
	_ =	sdelay $0x4  }
0xf4: {  	[tilespmem:$0x340] =	vst v32  }
0xf5: {  	v32 =	vld.idx.msk [tilespmem:v21+s1+$0x0], $0xffff;
	_ =	sdelay $0x4  }
0xf6: {  	[tilespmem:$0x350] =	vst v32  }
0xf7: {  	v32 =	vld.idx.msk [tilespmem:v22+s1+$0x0], $0xffff;
	_ =	sdelay $0x4  }
0xf8: {  	[tilespmem:$0x360] =	vst v32  }
0xf9: {  	v32 =	vld.idx.msk [tilespmem:v23+s1+$0x0], $0xffff;
	_ =	sdelay $0x4  }
0xfa: {  	[tilespmem:$0x370] =	vst v32  }
0xfb: {  	v32 =	vld.idx.msk [tilespmem:v24+s1+$0x0], $0xffff;
	_ =	sdelay $0x4  }
0xfc: {  	[tilespmem:$0x380] =	vst v32  }
0xfd: {  	v32 =	vld.idx.msk [tilespmem:v25+s1+$0x0], $0xffff;
	_ =	sdelay $0x4  }
0xfe: {  	[tilespmem:$0x390] =	vst v32  }
0xff: {  	v32 =	vld.idx.msk [tilespmem:v26+s1+$0x0], $0xffff;
	_ =	sdelay $0x4  }
0x100: {  	[tilespmem:$0x3A0] =	vst v32  }
0x101: {  	v32 =	vld.idx.msk [tilespmem:v27+s1+$0x0], $0xffff;
	_ =	sdelay $0x4  }
0x102: {  	[tilespmem:$0x3B0] =	vst v32  }
0x103: {  	v32 =	vld.idx.msk [tilespmem:v28+s1+$0x0], $0xffff;
	_ =	sdelay $0x4  }
0x104: {  	[tilespmem:$0x3C0] =	vst v32  }
0x105: {  	v32 =	vld.idx.msk [tilespmem:v29+s1+$0x0], $0xffff;
	_ =	sdelay $0x4  }
0x106: {  	[tilespmem:$0x3D0] =	vst v32  }
0x107: {  	v32 =	vld.idx.msk [tilespmem:v30+s1+$0x0], $0xffff;
	_ =	sdelay $0x4  }
0x108: {  	[tilespmem:$0x3E0] =	vst v32  }
0x109: {  	v32 =	vld.idx.msk [tilespmem:v31+s1+$0x0], $0xffff;
	_ =	sdelay $0x4  }
0x10a: {  	s2 =	simm.s32 $0x0;
	s5 =	simm.s32 $0x40;
	[tilespmem:$0x3F0] =	vst v32  }
.LBB2_2:
0x10b: {  	p0 =	sne.s32 s5, $0x7C0;
	v32 =	vld [tilespmem:s2+$0x200];
	_ =	sdelay $0x4  }
.Ltmp0:
0x10c: {  	v33 =	vshll.u32 v32, $0x3;
	(pc) =	sbr.rel @p0 .LBB2_2-.Ltmp0, $4  }
0x10d: {  	v34 =	vand.u32 $0xFFFE0000, v32;
	v32 =	vshrl.u32 v32, $0xE;
	v33 =	vand.u32 $0x1FFF8, v33  }
0x10e: {  	v32 =	vand.u32 $0x7, v32;
	v33 =	vor.u32 v34, v33  }
0x10f: {  	v32 =	vor.u32 v32, v33  }
0x110: {  	[tilespmem:s2+$0x200] =	vst v32;
	s2 =	sshra.s32 s5, $0x2;
	s5 =	sadd.s32 $0x40, s5  }
0x111: {  	v32 =	vld [tilespmem:s2+$0x200];
	_ =	sdelay $0x4  }
0x112: {  	v33 =	vshll.u32 v32, $0x3  }
0x113: {  	v34 =	vand.u32 $0xFFFE0000, v32;
	v32 =	vshrl.u32 v32, $0xE;
	v33 =	vand.u32 $0x1FFF8, v33  }
0x114: {  	v32 =	vand.u32 $0x7, v32;
	v33 =	vor.u32 v34, v33  }
0x115: {  	v32 =	vor.u32 v32, v33  }
0x116: {  	s17 =	simm.s32 $0x200;
	[tilespmem:s2+$0x200] =	vst v32  }
0x117: {  	[tilespmem:s25], [sflag:$0x1] =	stream.indirect.gather [hbm4b:s3+s17], $0x10, s17, s17, $0xb8;
	[tilespmem:$0x14A10] =	vst v63  }
0x118: {  	s24 =	simm.s32 $0x0  }
0x119: {  	[tilespmem:s26], [sflag:$0x6] =	stream.linear.gather [hbm4b:s12+s24], $0x6200, $0x38;
	[tilespmem:$0x14A10] =	vst v63  }
0x11a: {  	_ =	swait.ge [sflag:s28], $0x6200  }
0x11b: {  	[sflag:s28] =	ssyncset.done $0x0  }
0x11c: {  	s5 =	simm.s32 $0x40;
	s2 =	simm.s32 $0x0;
	[sflag:s28] =	ssyncadd.s32 $0xFFFF9E00  }
.LBB2_4:
0x11d: {  	p0 =	sne.s32 s5, $0xC00;
	v32 =	vld [tilespmem:s2+$0x2400];
	_ =	sdelay $0x4  }
.Ltmp1:
0x11e: {  	v33 =	vshll.u32 v32, $0x3;
	(pc) =	sbr.rel @p0 .LBB2_4-.Ltmp1, $4  }
0x11f: {  	v34 =	vand.u32 $0xFFFE0000, v32;
	v32 =	vshrl.u32 v32, $0xE;
	v33 =	vand.u32 $0x1FFF8, v33  }
0x120: {  	v32 =	vand.u32 $0x7, v32;
	v33 =	vor.u32 v34, v33  }
0x121: {  	v32 =	vor.u32 v32, v33  }
0x122: {  	[tilespmem:s2+$0x2400] =	vst v32;
	s2 =	sshra.s32 s5, $0x2;
	s5 =	sadd.s32 $0x40, s5  }
0x123: {  	v32 =	vld [tilespmem:s2+$0x2400];
	_ =	sdelay $0x4  }
0x124: {  	v33 =	vshll.u32 v32, $0x3  }
0x125: {  	v34 =	vand.u32 $0xFFFE0000, v32;
	v32 =	vshrl.u32 v32, $0xE;
	v33 =	vand.u32 $0x1FFF8, v33  }
0x126: {  	v32 =	vand.u32 $0x7, v32;
	v33 =	vor.u32 v34, v33  }
0x127: {  	v32 =	vor.u32 v32, v33  }
0x128: {  	s5 =	simm.s32 $0x40;
	[tilespmem:s2+$0x2400] =	vst v32;
	s2 =	simm.s32 $0x0  }
0x129: {  	[tilespmem:s30], [sflag:$0x2] =	stream.indirect.gather [hbm4b:s3+s29], $0x10, s26, s29, $0xb8;
	[tilespmem:$0x14A10] =	vst v63  }
.LBB2_6:
0x12a: {  	p0 =	sne.s32 s5, $0xC00;
	v32 =	vld [tilespmem:s2+$0x2710];
	_ =	sdelay $0x4  }
.Ltmp2:
0x12b: {  	v33 =	vshll.u32 v32, $0x3;
	(pc) =	sbr.rel @p0 .LBB2_6-.Ltmp2, $4  }
0x12c: {  	v34 =	vand.u32 $0xFFFE0000, v32;
	v32 =	vshrl.u32 v32, $0xE;
	v33 =	vand.u32 $0x1FFF8, v33  }
0x12d: {  	v32 =	vand.u32 $0x7, v32;
	v33 =	vor.u32 v34, v33  }
0x12e: {  	v32 =	vor.u32 v32, v33  }
0x12f: {  	[tilespmem:s2+$0x2710] =	vst v32;
	s2 =	sshra.s32 s5, $0x2;
	s5 =	sadd.s32 $0x40, s5  }
0x130: {  	v32 =	vld [tilespmem:s2+$0x2710];
	_ =	sdelay $0x4  }
0x131: {  	v33 =	vshll.u32 v32, $0x3  }
0x132: {  	v34 =	vand.u32 $0xFFFE0000, v32;
	v32 =	vshrl.u32 v32, $0xE;
	v33 =	vand.u32 $0x1FFF8, v33  }
0x133: {  	v32 =	vand.u32 $0x7, v32;
	v33 =	vor.u32 v34, v33  }
0x134: {  	v32 =	vor.u32 v32, v33  }
0x135: {  	s24 =	simm.s32 $0x2710;
	s5 =	simm.s32 $0x40;
	[tilespmem:s2+$0x2710] =	vst v32;
	s2 =	simm.s32 $0x0  }
0x136: {  	[tilespmem:s0], [sflag:$0x3] =	stream.indirect.gather [hbm4b:s3+s29], $0x10, s24, s29, $0xb8;
	[tilespmem:$0x14A10] =	vst v63  }
.LBB2_8:
0x137: {  	p0 =	sne.s32 s5, $0xC00;
	v32 =	vld [tilespmem:s2+$0x2A20];
	_ =	sdelay $0x4  }
.Ltmp3:
0x138: {  	v33 =	vshll.u32 v32, $0x3;
	(pc) =	sbr.rel @p0 .LBB2_8-.Ltmp3, $4  }
0x139: {  	v34 =	vand.u32 $0xFFFE0000, v32;
	v32 =	vshrl.u32 v32, $0xE;
	v33 =	vand.u32 $0x1FFF8, v33  }
0x13a: {  	v32 =	vand.u32 $0x7, v32;
	v33 =	vor.u32 v34, v33  }
0x13b: {  	v32 =	vor.u32 v32, v33  }
0x13c: {  	[tilespmem:s2+$0x2A20] =	vst v32;
	s2 =	sshra.s32 s5, $0x2;
	s5 =	sadd.s32 $0x40, s5  }
0x13d: {  	v32 =	vld [tilespmem:s2+$0x2A20];
	_ =	sdelay $0x4  }
0x13e: {  	v33 =	vshll.u32 v32, $0x3  }
0x13f: {  	v34 =	vand.u32 $0xFFFE0000, v32;
	v32 =	vshrl.u32 v32, $0xE;
	v33 =	vand.u32 $0x1FFF8, v33  }
0x140: {  	v32 =	vand.u32 $0x7, v32;
	v33 =	vor.u32 v34, v33  }
0x141: {  	v32 =	vor.u32 v32, v33  }
0x142: {  	s24 =	simm.s32 $0x2A20;
	s5 =	simm.s32 $0x40;
	[tilespmem:s2+$0x2A20] =	vst v32;
	s2 =	simm.s32 $0x0  }
0x143: {  	[tilespmem:s16], [sflag:$0x4] =	stream.indirect.gather [hbm4b:s3+s29], $0x10, s24, s29, $0xb8;
	[tilespmem:$0x14A10] =	vst v63  }
.LBB2_10:
0x144: {  	p0 =	sne.s32 s5, $0xC00;
	v32 =	vld [tilespmem:s2+$0x2D30];
	_ =	sdelay $0x4  }
.Ltmp4:
0x145: {  	v33 =	vshll.u32 v32, $0x3;
	(pc) =	sbr.rel @p0 .LBB2_10-.Ltmp4, $4  }
0x146: {  	v34 =	vand.u32 $0xFFFE0000, v32;
	v32 =	vshrl.u32 v32, $0xE;
	v33 =	vand.u32 $0x1FFF8, v33  }
0x147: {  	v32 =	vand.u32 $0x7, v32;
	v33 =	vor.u32 v34, v33  }
0x148: {  	v32 =	vor.u32 v32, v33  }
0x149: {  	[tilespmem:s2+$0x2D30] =	vst v32;
	s2 =	sshra.s32 s5, $0x2;
	s5 =	sadd.s32 $0x40, s5  }
0x14a: {  	v32 =	vld [tilespmem:s2+$0x2D30];
	_ =	sdelay $0x4  }
0x14b: {  	v33 =	vshll.u32 v32, $0x3  }
0x14c: {  	v34 =	vand.u32 $0xFFFE0000, v32;
	v32 =	vshrl.u32 v32, $0xE;
	v33 =	vand.u32 $0x1FFF8, v33  }
0x14d: {  	v32 =	vand.u32 $0x7, v32;
	v33 =	vor.u32 v34, v33  }
0x14e: {  	v32 =	vor.u32 v32, v33  }
0x14f: {  	s24 =	simm.s32 $0x2D30;
	[tilespmem:s2+$0x2D30] =	vst v32;
	s2 =	simm.s32 $0x1  }
0x150: {  	[tilespmem:s18], [sflag:$0x5] =	stream.indirect.gather [hbm4b:s3+s29], $0x10, s24, s29, $0xb8;
	[tilespmem:$0x14A10] =	vst v63  }
0x151: {  	_ =	swait.ge [sflag:s2], $0x2000  }
0x152: {  	[sflag:s2] =	ssyncset.done $0x0  }
0x153: {  	[sflag:s2] =	ssyncadd.s32 $0xFFFFE000  }
0x154: {  	[hbm4b:s13+s1] =	stream.linear.scatter [tilespmem:s25], [sflag:$0x6], $0x2000, $0x38;
	[tilespmem:$0x14A10] =	vst v63  }
0x155: {  	_ =	swait.ge [sflag:s28], $0x2000  }
0x156: {  	s17 =	simm.s32 $0x3040;
	s5 =	simm.s32 $0x3660;
	[sflag:s28] =	ssyncset.done $0x0  }
0x157: {  	s6 =	simm.s32 $0x3970;
	s24 =	simm.s32 $0x3350;
	[sflag:s28] =	ssyncadd.s32 $0xFFFFE000  }
.LBB2_12:
0x158: {  	v32 =	vmov s17  }
0x159: {  	s7 =	smul.u32 $0x3100, s2;
	_ =	sdelay $0x1  }
0x15a: {  	s7 =	sshra.s32 s7, $0x2  }
0x15b: {  	s9 =	simm.s32 $0x0;
	s10 =	simm.s32 $0x40;
	s8 =	sadd.s32 $0x2400, s7  }
.LBB2_13:
0x15c: {  	p0 =	sne.s32 s10, $0xC00;
	v33 =	vld.idx.msk [tilespmem:v32+s9+$0x0 ss:$0x1], $0xffff;
	_ =	sdelay $0x5  }
.Ltmp5:
0x15d: {  	v34 =	vshll.u32 v33, $0x3;
	(pc) =	sbr.rel @p0 .LBB2_13-.Ltmp5, $4  }
0x15e: {  	v35 =	vand.u32 $0xFFFE0000, v33;
	v33 =	vshrl.u32 v33, $0xE;
	v34 =	vand.u32 $0x1FFF8, v34  }
0x15f: {  	v33 =	vand.u32 $0x7, v33;
	v34 =	vor.u32 v35, v34  }
0x160: {  	v33 =	vor.u32 v33, v34  }
0x161: {  	[tilespmem:v32+s9+$0x0 ss:$0x1] =	vst.idx.msk $0xffff, v33;
	s9 =	sshra.s32 s10, $0x2;
	s10 =	sadd.s32 $0x40, s10  }
0x162: {  	_ =	sdelay $0x3  }
0x163: {  	v33 =	vld.idx.msk [tilespmem:v32+s9+$0x0 ss:$0x1], $0xffff;
	_ =	sdelay $0x4  }
0x164: {  	v34 =	vshll.u32 v33, $0x3  }
0x165: {  	v35 =	vand.u32 $0xFFFE0000, v33;
	v33 =	vshrl.u32 v33, $0xE;
	v34 =	vand.u32 $0x1FFF8, v34  }
0x166: {  	v33 =	vand.u32 $0x7, v33;
	v34 =	vor.u32 v35, v34  }
0x167: {  	v33 =	vor.u32 v33, v34  }
0x168: {  	[tilespmem:v32+s9+$0x0 ss:$0x1] =	vst.idx.msk $0xffff, v33  }
0x169: {  	v32 =	vmov s24;
	_ =	swait.ge [sflag:s19], $0x3100  }
0x16a: {  	[sflag:s19] =	ssyncset.done $0x0  }
0x16b: {  	[sflag:s19] =	ssyncadd.s32 $0xFFFFCF00  }
0x16c: {  	[tilespmem:s30], [sflag:$0x2] =	stream.indirect.gather.add.f32 [hbm:s3], $0x10, s8, s29, $0xb8;
	[tilespmem:$0x14A10] =	vst v63  }
0x16d: {  	s10 =	simm.s32 $0x40;
	s9 =	simm.s32 $0x0;
	s8 =	sadd.s32 $0x2710, s7  }
.LBB2_15:
0x16e: {  	p0 =	sne.s32 s10, $0xC00;
	v33 =	vld.idx.msk [tilespmem:v32+s9+$0x0 ss:$0x1], $0xffff;
	_ =	sdelay $0x5  }
.Ltmp6:
0x16f: {  	v34 =	vshll.u32 v33, $0x3;
	(pc) =	sbr.rel @p0 .LBB2_15-.Ltmp6, $4  }
0x170: {  	v35 =	vand.u32 $0xFFFE0000, v33;
	v33 =	vshrl.u32 v33, $0xE;
	v34 =	vand.u32 $0x1FFF8, v34  }
0x171: {  	v33 =	vand.u32 $0x7, v33;
	v34 =	vor.u32 v35, v34  }
0x172: {  	v33 =	vor.u32 v33, v34  }
0x173: {  	[tilespmem:v32+s9+$0x0 ss:$0x1] =	vst.idx.msk $0xffff, v33;
	s9 =	sshra.s32 s10, $0x2;
	s10 =	sadd.s32 $0x40, s10  }
0x174: {  	_ =	sdelay $0x3  }
0x175: {  	v33 =	vld.idx.msk [tilespmem:v32+s9+$0x0 ss:$0x1], $0xffff;
	_ =	sdelay $0x4  }
0x176: {  	v34 =	vshll.u32 v33, $0x3  }
0x177: {  	v35 =	vand.u32 $0xFFFE0000, v33;
	v33 =	vshrl.u32 v33, $0xE;
	v34 =	vand.u32 $0x1FFF8, v34  }
0x178: {  	v33 =	vand.u32 $0x7, v33;
	v34 =	vor.u32 v35, v34  }
0x179: {  	v33 =	vor.u32 v33, v34  }
0x17a: {  	[tilespmem:v32+s9+$0x0 ss:$0x1] =	vst.idx.msk $0xffff, v33  }
0x17b: {  	v32 =	vmov s5;
	_ =	swait.ge [sflag:s20], $0x3100  }
0x17c: {  	[sflag:s20] =	ssyncset.done $0x0  }
0x17d: {  	[sflag:s20] =	ssyncadd.s32 $0xFFFFCF00  }
0x17e: {  	[tilespmem:s0], [sflag:$0x3] =	stream.indirect.gather.add.f32 [hbm:s3], $0x10, s8, s29, $0xb8;
	[tilespmem:$0x14A10] =	vst v63  }
0x17f: {  	s10 =	simm.s32 $0x40;
	s9 =	simm.s32 $0x0;
	s8 =	sadd.s32 $0x2A20, s7  }
.LBB2_17:
0x180: {  	p0 =	sne.s32 s10, $0xC00;
	v33 =	vld.idx.msk [tilespmem:v32+s9+$0x0 ss:$0x1], $0xffff;
	_ =	sdelay $0x5  }
.Ltmp7:
0x181: {  	v34 =	vshll.u32 v33, $0x3;
	(pc) =	sbr.rel @p0 .LBB2_17-.Ltmp7, $4  }
0x182: {  	v35 =	vand.u32 $0xFFFE0000, v33;
	v33 =	vshrl.u32 v33, $0xE;
	v34 =	vand.u32 $0x1FFF8, v34  }
0x183: {  	v33 =	vand.u32 $0x7, v33;
	v34 =	vor.u32 v35, v34  }
0x184: {  	v33 =	vor.u32 v33, v34  }
0x185: {  	[tilespmem:v32+s9+$0x0 ss:$0x1] =	vst.idx.msk $0xffff, v33;
	s9 =	sshra.s32 s10, $0x2;
	s10 =	sadd.s32 $0x40, s10  }
0x186: {  	_ =	sdelay $0x3  }
0x187: {  	v33 =	vld.idx.msk [tilespmem:v32+s9+$0x0 ss:$0x1], $0xffff;
	_ =	sdelay $0x4  }
0x188: {  	v34 =	vshll.u32 v33, $0x3  }
0x189: {  	v35 =	vand.u32 $0xFFFE0000, v33;
	v33 =	vshrl.u32 v33, $0xE;
	v34 =	vand.u32 $0x1FFF8, v34  }
0x18a: {  	v33 =	vand.u32 $0x7, v33;
	v34 =	vor.u32 v35, v34  }
0x18b: {  	v33 =	vor.u32 v33, v34  }
0x18c: {  	[tilespmem:v32+s9+$0x0 ss:$0x1] =	vst.idx.msk $0xffff, v33  }
0x18d: {  	v32 =	vmov s6;
	_ =	swait.ge [sflag:s21], $0x3100  }
0x18e: {  	[sflag:s21] =	ssyncset.done $0x0  }
0x18f: {  	[sflag:s21] =	ssyncadd.s32 $0xFFFFCF00  }
0x190: {  	[tilespmem:s16], [sflag:$0x4] =	stream.indirect.gather.add.f32 [hbm:s3], $0x10, s8, s29, $0xb8;
	[tilespmem:$0x14A10] =	vst v63  }
0x191: {  	s7 =	sadd.s32 $0x2D30, s7;
	s9 =	simm.s32 $0x40;
	s8 =	simm.s32 $0x0  }
.LBB2_19:
0x192: {  	p0 =	sne.s32 s9, $0xC00;
	v33 =	vld.idx.msk [tilespmem:v32+s8+$0x0 ss:$0x1], $0xffff;
	_ =	sdelay $0x5  }
.Ltmp8:
0x193: {  	v34 =	vshll.u32 v33, $0x3;
	(pc) =	sbr.rel @p0 .LBB2_19-.Ltmp8, $4  }
0x194: {  	v35 =	vand.u32 $0xFFFE0000, v33;
	v33 =	vshrl.u32 v33, $0xE;
	v34 =	vand.u32 $0x1FFF8, v34  }
0x195: {  	v33 =	vand.u32 $0x7, v33;
	v34 =	vor.u32 v35, v34  }
0x196: {  	v33 =	vor.u32 v33, v34  }
0x197: {  	[tilespmem:v32+s8+$0x0 ss:$0x1] =	vst.idx.msk $0xffff, v33;
	s8 =	sshra.s32 s9, $0x2;
	s9 =	sadd.s32 $0x40, s9  }
0x198: {  	_ =	sdelay $0x3  }
0x199: {  	v33 =	vld.idx.msk [tilespmem:v32+s8+$0x0 ss:$0x1], $0xffff;
	_ =	sdelay $0x4  }
0x19a: {  	v34 =	vshll.u32 v33, $0x3  }
0x19b: {  	v35 =	vand.u32 $0xFFFE0000, v33;
	v33 =	vshrl.u32 v33, $0xE;
	v34 =	vand.u32 $0x1FFF8, v34  }
0x19c: {  	s2 =	sadd.s32 $0x1, s2;
	v33 =	vand.u32 $0x7, v33;
	v34 =	vor.u32 v35, v34  }
0x19d: {  	p0 =	sne.s32 s2, $0x8;
	v33 =	vor.u32 v33, v34  }
.Ltmp9:
0x19e: {  	[tilespmem:v32+s8+$0x0 ss:$0x1] =	vst.idx.msk $0xffff, v33;
	(pc) =	sbr.rel @p0 .LBB2_12-.Ltmp9, $4  }
0x19f: {  	_ =	swait.ge [sflag:s22], $0x3100  }
0x1a0: {  	s17 =	sadd.s32 $0xC40, s17;
	s24 =	sadd.s32 $0xC40, s24;
	[sflag:s22] =	ssyncset.done $0x0  }
0x1a1: {  	s5 =	sadd.s32 $0xC40, s5;
	s6 =	sadd.s32 $0xC40, s6;
	[sflag:s22] =	ssyncadd.s32 $0xFFFFCF00  }
0x1a2: {  	[tilespmem:s18], [sflag:$0x5] =	stream.indirect.gather.add.f32 [hbm:s3], $0x10, s7, s29, $0xb8;
	[tilespmem:$0x14A10] =	vst v63  }
0x1a3: {  	_ =	swait.ge [sflag:s19], $0x3100  }
0x1a4: {  	[sflag:s19] =	ssyncset.done $0x0  }
0x1a5: {  	[sflag:s19] =	ssyncadd.s32 $0xFFFFCF00  }
0x1a6: {  	_ =	swait.ge [sflag:s20], $0x3100  }
0x1a7: {  	[sflag:s20] =	ssyncset.done $0x0  }
0x1a8: {  	[sflag:s20] =	ssyncadd.s32 $0xFFFFCF00  }
0x1a9: {  	_ =	swait.ge [sflag:s21], $0x3100  }
0x1aa: {  	[sflag:s21] =	ssyncset.done $0x0  }
0x1ab: {  	[sflag:s21] =	ssyncadd.s32 $0xFFFFCF00  }
0x1ac: {  	_ =	swait.ge [sflag:s22], $0x3100  }
0x1ad: {  	[sflag:s22] =	ssyncset.done $0x0  }
0x1ae: {  	s2 =	simm.s32 $0x0;
	[sflag:s22] =	ssyncadd.s32 $0xFFFFCF00  }
0x1af: {  	v32 =	vld [tilespmem:s2+$0x8600];
	_ =	sdelay $0x2  }
0x1b0: {  	v34 =	vld [tilespmem:s2+$0xB700]  }
0x1b1: {  	v33 =	vimm.f32 $0.0e+00  }
0x1b2: {  	v35 =	vadd.f32 v32, v33;
	v33 =	vld [tilespmem:s2+$0xE800];
	_ =	sdelay $0x1  }
0x1b3: {  	v32 =	vld [tilespmem:s2+$0x11900]  }
0x1b4: {  	s5 =	simm.s32 $0x80;
	s2 =	simm.s32 $0x10;
	v34 =	vadd.f32 v34, v35  }
.LBB2_22:
0x1b5: {  	p0 =	sne.s32 s5, $0xC3C0;
	v35 =	vld [tilespmem:s2+$0x8600]  }
0x1b6: {  	v33 =	vadd.f32 v33, v34  }
0x1b7: {  	v34 =	vld [tilespmem:s2+$0xB700]  }
.Ltmp10:
0x1b8: {  	v32 =	vadd.f32 v32, v33;
	(pc) =	sbr.rel @p0 .LBB2_22-.Ltmp10, $4  }
0x1b9: {  	v33 =	vld [tilespmem:s2+$0xE800]  }
0x1ba: {  	v35 =	vadd.f32 v35, v32  }
0x1bb: {  	v32 =	vld [tilespmem:s2+$0x11900]  }
0x1bc: {  	s2 =	sshra.s32 s5, $0x2;
	s5 =	sadd.s32 $0x40, s5;
	v34 =	vadd.f32 v34, v35  }
0x1bd: {  	v35 =	vld [tilespmem:s2+$0x8600]  }
0x1be: {  	v33 =	vadd.f32 v33, v34  }
0x1bf: {  	v61 =	vld [tilespmem:s2+$0xB700]  }
0x1c0: {  	v32 =	vadd.f32 v32, v33  }
0x1c1: {  	v62 =	vld [tilespmem:s2+$0xE800]  }
0x1c2: {  	v32 =	vadd.f32 v35, v32  }
0x1c3: {  	v63 =	vld [tilespmem:s2+$0x11900]  }
0x1c4: {  	v32 =	vadd.f32 v61, v32;
	_ =	sdelay $0x1  }
0x1c5: {  	v32 =	vadd.f32 v62, v32;
	_ =	sdelay $0x1  }
0x1c6: {  	s31 =	sadd.s32 $0x1, s31;
	v32 =	vadd.f32 v63, v32  }
0x1c7: {  	p0 =	sne.s32 s31, s15  }
.Ltmp11:
0x1c8: {  	s24 =	simm.s32 $0x14A00;
	[tilespmem:$0x14A00] =	vst v32;
	(pc) =	sbr.rel @p0 .LBB2_1-.Ltmp11, $4  }
0x1c9: {  	[hbm4b:s14+s1] =	stream.linear.scatter [tilespmem:s24], [sflag:$0x6], $0x10, $0x38;
	[tilespmem:$0x14A10] =	vst v63  }
0x1ca: {  	_ =	swait.ge [sflag:s28], $0x10  }
0x1cb: {  	[sflag:s28] =	ssyncset.done $0x0  }
0x1cc: {  	[sflag:s28] =	ssyncadd.s32 $0xFFFFFFF0  }
0x1cd: {  	_ =	sfence.sel $0x180000  }
0x1ce: {  	[bflag:$0x0] =	sbarrier.arrive $0xFFFF  }
0x1cf: {  	_ =	strace $0x90000047  }
0x1d0: {  	s0 =	stileid.u32;
	[bflag:$0x2] =	sbarrier.arrive $0xFFFF  }
0x1d1: {  	p0 =	sne.s32 s0, $0x0;
	s0 =	rddreg [dreg:$0x3]  }
0x1d2: {  	s0 =	sadd.s32 @!p0 $0x100000, s0  }
0x1d3: {  	[sflag:s0] =	ssyncadd.tile.s32 @!p0 $0x1;
	_ =	shalt  }
.Lfunc_end2:
_tile_overlayer_lowered:
.L_overlay_start_2:
0x1d4: {  	(tag) =	ssettag $0x2  }
0x1d5: {  	s0 =	rddreg [dreg:$0x0];
	s2 =	stileid.u32  }
0x1d6: {  	s1 =	rddreg [dreg:$0x1];
	p0 =	sne.s32 s2, $0x0  }
0x1d7: {  	s3 =	rddreg [dreg:$0x2];
	[bflag:$0x3] =	sbarrier.arrive $0xFFFF;
	s2 =	simm.s32 @!p0 $0x1C06  }
0x1d8: {  	[timem:s3], [sflag:s2] =	dma.local @!p0 [hbm:s0], s1  }
0x1d9: {  	s0 =	simm.s32 @!p0 $0x6  }
0x1da: {  	_ =	swait.ge @!p0 [sflag:s0], s1  }
0x1db: {  	s1 =	ssub.s32 @!p0 $0x0, s1;
	[sflag:s0] =	ssyncset.done @!p0 $0x0  }
0x1dc: {  	[sflag:s0] =	ssyncadd.s32 @!p0 s1  }
0x1dd: {  	[bflag:$0x3] =	sbarrier.arrive $0xFFFF  }
0x1de: {  	_ =	shalt  }

</sc_bundles>
